<compile_context>
chip_gen: v7x
topology: tpu7x:2x2x1
jax: 0.10.2.dev20260603
libtpu: 0.0.44.dev20260713+nightly
codegen_flags: <defaults>
</compile_context>

<pallas_src>
import functools

import jax
import jax.numpy as jnp
from jax import lax
from jax.experimental import pallas as pl
from jax.experimental.pallas import tpu as pltpu
from jax.experimental.pallas import tpu_sc as plsc

_N = 10000
_E = 320000
_G = 64
_NP = 10240
_NC = 2
_NS = 16
_NW = _NC * _NS
_EPW = _E // _NW
_RPT = _N // _NS
_BN = 2000


def _sc_mesh():
    return plsc.VectorSubcoreMesh(core_axis_name="c", subcore_axis_name="s")


def _make_deg_kernel():
    @functools.partial(
        pl.kernel,
        out_type=jax.ShapeDtypeStruct((2 * _NP,), jnp.float32),
        mesh=_sc_mesh(),
        scratch_types=[
            pltpu.VMEM_SHARED((_NP,), jnp.float32),
            pltpu.VMEM((400,), jnp.int32),
            pltpu.VMEM((400,), jnp.float32),
            pltpu.VMEM((_NP // _NS,), jnp.float32),
        ],
        compiler_params=pltpu.CompilerParams(use_tc_tiling_on_sc=False),
    )
    def deg_kernel(dst_hbm, out_hbm, dacc, didx, ones_v, zb):
        cid = lax.axis_index("c")
        sid = lax.axis_index("s")
        wid = cid * _NS + sid
        ke = 400
        zchunk = _NP // _NS

        def zfill(i, _):
            zb[pl.ds(i * 16, 16)] = jnp.zeros((16,), jnp.float32)
            return 0

        lax.fori_loop(0, zchunk // 16, zfill, 0)

        def ofill(i, _):
            ones_v[pl.ds(i * 16, 16)] = jnp.ones((16,), jnp.float32)
            return 0

        lax.fori_loop(0, ke // 16, ofill, 0)
        pltpu.sync_copy(zb, dacc.at[pl.ds(sid * zchunk, zchunk)])
        plsc.subcore_barrier()

        def ebody(i, _):
            base = wid * _EPW + i * ke
            pltpu.sync_copy(dst_hbm.at[pl.ds(base, ke)], didx)
            pltpu.sync_copy(ones_v, dacc.at[didx], add=True)
            return 0

        lax.fori_loop(0, _EPW // ke, ebody, 0)
        plsc.subcore_barrier()
        pltpu.sync_copy(dacc.at[pl.ds(sid * zchunk, zchunk)],
                        out_hbm.at[pl.ds(cid * _NP + sid * zchunk, zchunk)])

    return deg_kernel


def _make_edge_kernel(d, ke):
    nb = _EPW // ke
    npair = nb // 2
    tail = nb - 2 * npair

    @functools.partial(
        pl.kernel,
        out_type=jax.ShapeDtypeStruct((2 * _N, d), jnp.float32),
        mesh=_sc_mesh(),
        scratch_types=[
            pltpu.VMEM_SHARED((_N, d), jnp.float32),
            pltpu.VMEM((ke,), jnp.int32),
            pltpu.VMEM((ke,), jnp.int32),
            pltpu.VMEM((ke,), jnp.int32),
            pltpu.VMEM((ke,), jnp.int32),
            pltpu.VMEM((ke, d), jnp.float32),
            pltpu.VMEM((ke, d), jnp.float32),
            pltpu.SemaphoreType.DMA,
            pltpu.SemaphoreType.DMA,
        ],
        compiler_params=pltpu.CompilerParams(use_tc_tiling_on_sc=False),
    )
    def edge_kernel(src_hbm, dst_hbm, hp_hbm, out_hbm, acc, sidx0, didx0,
                    sidx1, didx1, rows0, rows1, isem, gsem):
        cid = lax.axis_index("c")
        sid = lax.axis_index("s")
        wid = cid * _NS + sid
        pltpu.sync_copy(hp_hbm.at[pl.ds(sid * _RPT, _RPT)],
                        acc.at[pl.ds(sid * _RPT, _RPT)])
        plsc.subcore_barrier()

        def pbody(j, _):
            b0 = wid * _EPW + (2 * j) * ke
            b1 = b0 + ke
            c0 = pltpu.async_copy(src_hbm.at[pl.ds(b0, ke)], sidx0, isem)
            c1 = pltpu.async_copy(dst_hbm.at[pl.ds(b0, ke)], didx0, isem)
            c2 = pltpu.async_copy(src_hbm.at[pl.ds(b1, ke)], sidx1, isem)
            c3 = pltpu.async_copy(dst_hbm.at[pl.ds(b1, ke)], didx1, isem)
            c0.wait()
            c1.wait()
            c2.wait()
            c3.wait()
            g0 = pltpu.async_copy(hp_hbm.at[sidx0], rows0, gsem)
            g1 = pltpu.async_copy(hp_hbm.at[sidx1], rows1, gsem)
            g0.wait()
            pltpu.sync_copy(rows0, acc.at[didx0], add=True)
            g1.wait()
            pltpu.sync_copy(rows1, acc.at[didx1], add=True)
            return 0

        lax.fori_loop(0, npair, pbody, 0)
        if tail:
            bt = wid * _EPW + (2 * npair) * ke
            pltpu.sync_copy(src_hbm.at[pl.ds(bt, ke)], sidx0)
            pltpu.sync_copy(dst_hbm.at[pl.ds(bt, ke)], didx0)
            pltpu.async_copy(hp_hbm.at[sidx0], rows0, gsem).wait()
            pltpu.sync_copy(rows0, acc.at[didx0], add=True)
        plsc.subcore_barrier()
        pltpu.sync_copy(acc.at[pl.ds(sid * _RPT, _RPT)],
                        out_hbm.at[pl.ds(cid * _N + sid * _RPT, _RPT)])

    return edge_kernel


def _prep_body(numx, catx, embw, embb, w1, h1o):
    x0 = numx[0]
    x1 = jnp.dot(catx[0], embw[0], preferred_element_type=jnp.float32) \
        + embb[0][None, :]
    x2 = jnp.dot(catx[1], embw[1], preferred_element_type=jnp.float32) \
        + embb[1][None, :]
    w = w1[...]
    h1o[...] = jnp.concatenate(
        [jnp.dot(x0, w, preferred_element_type=jnp.float32),
         jnp.dot(x1, w, preferred_element_type=jnp.float32),
         jnp.dot(x2, w, preferred_element_type=jnp.float32)], axis=1)


def _mid1_body(degp, h1, dinvo, hLo, hRo):
    deg = degp[:, 0] + degp[:, 1] + 1.0
    dinv = lax.rsqrt(deg)
    dinvo[...] = dinv[:, None]
    h1p = h1[...] * dinv[:, None]
    hLo[...] = h1p[:, :96]
    hRo[...] = h1p[:, 96:]


def _mid2_body(accL, accR, hL, hR, dinv, b1, w2, h2po):
    dv = dinv[...]
    b1t = jnp.concatenate([b1[...]] * 3)
    agg = jnp.concatenate(
        [accL[0] + accL[1] - hL[...], accR[0] + accR[1] - hR[...]], axis=1)
    z = jnp.maximum(agg * dv + b1t[None, :], 0.0)
    w = w2[...]
    h2 = jnp.concatenate(
        [jnp.dot(z[:, 0:64], w, preferred_element_type=jnp.float32),
         jnp.dot(z[:, 64:128], w, preferred_element_type=jnp.float32),
         jnp.dot(z[:, 128:192], w, preferred_element_type=jnp.float32)],
        axis=1)
    h2po[...] = h2 * dv


def _final_body(accs, h2p, dinv, b2, batchv, wf, bf, outo):
    dv = dinv[...]
    b2t = jnp.concatenate([b2[...]] * 3)
    z = (accs[0] + accs[1] - h2p[...]) * dv + b2t[None, :]
    onehot = (batchv[...][None, :]
              == lax.broadcasted_iota(jnp.int32, (_G, _N), 0)
              ).astype(jnp.float32)
    sums = jnp.dot(onehot, z, preferred_element_type=jnp.float32)
    counts = jnp.sum(onehot, axis=1)
    pooled = sums * (1.0 / jnp.clip(counts, 1.0, None))[:, None]
    w = wf[...]
    bfv = bf[...]
    outs = []
    for c in range(3):
        o = jnp.dot(pooled[:, 32 * c:32 * (c + 1)], w,
                    preferred_element_type=jnp.float32) + bfv[None, :]
        e = jnp.exp(o - jnp.max(o, axis=-1, keepdims=True))
        sm = e / jnp.sum(e, axis=-1, keepdims=True)
        outs.append(sm - jnp.mean(sm, axis=-1, keepdims=True))
    outo[...] = jnp.stack(outs)


def _prep_call(num_x, cat_x, emb_W, emb_b, W1):
    f32 = jnp.float32
    nblk = _N // _BN
    return pl.pallas_call(
        _prep_body,
        grid=(nblk,),
        in_specs=[
            pl.BlockSpec((1, _BN, 128), lambda i: (0, i, 0)),
            pl.BlockSpec((2, _BN, 16), lambda i: (0, i, 0)),
            pl.BlockSpec((2, 16, 128), lambda i: (0, 0, 0)),
            pl.BlockSpec((2, 128), lambda i: (0, 0)),
            pl.BlockSpec((128, 64), lambda i: (0, 0)),
        ],
        out_specs=pl.BlockSpec((_BN, 192), lambda i: (i, 0)),
        out_shape=jax.ShapeDtypeStruct((_N, 192), f32),
    )(num_x, cat_x, emb_W, emb_b, W1)


def _mid1_call(degp, h1):
    f32 = jnp.float32
    nblk = _N // _BN
    return pl.pallas_call(
        _mid1_body,
        grid=(nblk,),
        in_specs=[
            pl.BlockSpec((_BN, 2), lambda i: (i, 0)),
            pl.BlockSpec((_BN, 192), lambda i: (i, 0)),
        ],
        out_specs=(pl.BlockSpec((_BN, 1), lambda i: (i, 0)),
                   pl.BlockSpec((_BN, 96), lambda i: (i, 0)),
                   pl.BlockSpec((_BN, 96), lambda i: (i, 0))),
        out_shape=(jax.ShapeDtypeStruct((_N, 1), f32),
                   jax.ShapeDtypeStruct((_N, 96), f32),
                   jax.ShapeDtypeStruct((_N, 96), f32)),
    )(degp, h1)


def _mid2_call(accL, accR, hL, hR, dinv, b1, W2):
    f32 = jnp.float32
    nblk = _N // _BN
    return pl.pallas_call(
        _mid2_body,
        grid=(nblk,),
        in_specs=[
            pl.BlockSpec((2, _BN, 96), lambda i: (0, i, 0)),
            pl.BlockSpec((2, _BN, 96), lambda i: (0, i, 0)),
            pl.BlockSpec((_BN, 96), lambda i: (i, 0)),
            pl.BlockSpec((_BN, 96), lambda i: (i, 0)),
            pl.BlockSpec((_BN, 1), lambda i: (i, 0)),
            pl.BlockSpec((64,), lambda i: (0,)),
            pl.BlockSpec((64, 32), lambda i: (0, 0)),
        ],
        out_specs=pl.BlockSpec((_BN, 96), lambda i: (i, 0)),
        out_shape=jax.ShapeDtypeStruct((_N, 96), f32),
    )(accL, accR, hL, hR, dinv, b1, W2)


def _final_call(acc2, h2p, dinv, b2, batch, Wf, bf):
    f32 = jnp.float32
    return pl.pallas_call(
        _final_body,
        out_shape=jax.ShapeDtypeStruct((3, _G, 10), f32),
    )(acc2, h2p, dinv, b2, batch, Wf, bf)


def kernel(num_x, cat_x, edge_index, batch, emb_W, emb_b, W1, b1, W2, b2,
           Wf, bf):
    src = edge_index[0]
    dst = edge_index[1]
    h1 = _prep_call(num_x, cat_x, emb_W, emb_b, W1)
    degp = _make_deg_kernel()(dst).reshape(2, _NP)[:, :_N].T
    dinv, hpL, hpR = _mid1_call(degp, h1)
    ek96 = _make_edge_kernel(96, 200)
    accL = ek96(src, dst, hpL).reshape(2, _N, 96)
    accR = ek96(src, dst, hpR).reshape(2, _N, 96)
    h2p = _mid2_call(accL, accR, hpL, hpR, dinv, b1, W2)
    acc2 = ek96(src, dst, h2p).reshape(2, _N, 96)
    return _final_call(acc2, h2p, dinv, b2, batch, Wf, bf)

# --- scband reference (transcript-rebuilt; emitter-appended) ---
"""Pipeline reference for scband-graph-net-12163347383045 (READ-ONLY COPY).

The authoritative reference and input builder live on the scoring server;
editing this copy changes nothing except your own understanding.
"""

import jax, jax.numpy as jnp
import numpy as np

N = 10000
E = 320000
C = 2
F = 128
MAXC = 16
G = 64
NC = 10


def setup_inputs(seed: int = 0) -> dict:
    key = jax.random.key(seed)
    ks = jax.random.split(key, 12)
    num_x = jax.random.normal(ks[0], (1, N, F), dtype=jnp.float32)
    cat_x = jax.random.uniform(ks[1], (C, N, MAXC), dtype=jnp.float32)
    edge_index = jax.random.randint(ks[2], (2, E), 0, N, dtype=jnp.int32)
    batch = jnp.sort(jax.random.randint(ks[3], (N,), 0, G, dtype=jnp.int32))
    emb_W = jax.random.normal(ks[4], (C, MAXC, F), dtype=jnp.float32) * (1.0 / np.sqrt(MAXC))
    emb_b = jnp.zeros((C, F), dtype=jnp.float32)
    W1 = jax.random.normal(ks[5], (F, 64), dtype=jnp.float32) * (1.0 / np.sqrt(F))
    b1 = jnp.zeros((64,), dtype=jnp.float32)
    W2 = jax.random.normal(ks[6], (64, 32), dtype=jnp.float32) * (1.0 / np.sqrt(64))
    b2 = jnp.zeros((32,), dtype=jnp.float32)
    Wf = jax.random.normal(ks[7], (32, NC), dtype=jnp.float32) * (1.0 / np.sqrt(32))
    bf = jnp.zeros((NC,), dtype=jnp.float32)
    return {"num_x": num_x, "cat_x": cat_x, "edge_index": edge_index, "batch": batch,
            "emb_W": emb_W, "emb_b": emb_b, "W1": W1, "b1": b1, "W2": W2, "b2": b2,
            "Wf": Wf, "bf": bf}


def _gcn(x, src, dst, W, b, n):
    # PyG-style GCNConv: linear transform, add self loops, sym-normalized scatter-add
    x = x @ W  # [B, n, F']
    loops = jnp.arange(n, dtype=src.dtype)
    src2 = jnp.concatenate([src, loops])
    dst2 = jnp.concatenate([dst, loops])
    deg = jax.ops.segment_sum(jnp.ones_like(dst2, dtype=x.dtype), dst2, num_segments=n)
    dinv = jnp.where(deg > 0, 1.0 / jnp.sqrt(jnp.where(deg > 0, deg, 1.0)), 0.0)
    norm = dinv[src2] * dinv[dst2]
    msg = jnp.take(x, src2, axis=1) * norm[None, :, None]  # gather
    msg_t = jnp.swapaxes(msg, 0, 1)  # [E2, B, F']
    agg = jax.ops.segment_sum(msg_t, dst2, num_segments=n)  # scatter-add
    return jnp.swapaxes(agg, 0, 1) + b


def reference(num_x, cat_x, edge_index, batch, emb_W, emb_b, W1, b1, W2, b2, Wf, bf):
    n = num_x.shape[1]
    xs = [num_x]
    for i in range(cat_x.shape[0]):
        xs.append((cat_x[i] @ emb_W[i] + emb_b[i])[None, :, :])
    x = jnp.concatenate(xs, axis=0).astype(jnp.float32)  # [1+C, n, F]
    src, dst = edge_index[0], edge_index[1]
    x = _gcn(x, src, dst, W1, b1, n)
    x = jax.nn.relu(x)
    x = _gcn(x, src, dst, W2, b2, n)
    # global mean pool over nodes by graph id
    xt = jnp.swapaxes(x, 0, 1)  # [n, B, 32]
    sums = jax.ops.segment_sum(xt, batch, num_segments=G)  # [G, B, 32]
    counts = jax.ops.segment_sum(jnp.ones((n,), x.dtype), batch, num_segments=G)
    pooled = jnp.swapaxes(sums, 0, 1) / jnp.clip(counts, 1.0, None)[None, :, None]  # [B, G, 32]
    out = pooled @ Wf + bf
    out = jax.nn.softmax(out, axis=-1)
    return out - out.mean(axis=-1, keepdims=True)

if __name__ == "__main__":
    import jax
    _d = setup_inputs()
    print(jax.jit(kernel)(*tuple(_d.values())))

</pallas_src>

<mosaic_0001>
#map = affine_map<(d0, d1) -> (0)>
module attributes {stable_mosaic.version = 14 : i64} {
  func.func @deg_kernel(%arg0: i32, %arg1: i32, %arg2: memref<320000xi32, #tpu.memory_space<hbm>>, %arg3: memref<20480xf32, #tpu.memory_space<hbm>>, %arg4: memref<10240xf32, #tpu.memory_space<vmem_shared>>, %arg5: memref<400xi32, #tpu.memory_space<vmem>>, %arg6: memref<400xf32, #tpu.memory_space<vmem>>, %arg7: memref<640xf32, #tpu.memory_space<vmem>>) attributes {dimension_semantics = [#tpu.dimension_semantics<core_parallel>, #tpu.dimension_semantics<subcore_parallel>], iteration_bounds = array<i64: 2, 16>, scalar_prefetch = 0 : i64, scratch_operands = 4 : i64, tpu.core_type = #tpu.core_type<sc_vector_subcore>, window_params = [{transform_indices = #map}, {transform_indices = #map}]} {
    %mul3A = arith.constant 16 : i32
    %mul3A_0 = arith.muli %arg0, %mul3A : i32
    %add3A = arith.addi %mul3A_0, %arg1 : i32
    %scan3A = arith.constant 0 : i32
    %scan3A_1 = arith.constant 0 : i32
    %scan3A_2 = arith.constant 40 : i32
    %scan3A_3 = arith.addi %scan3A_1, %scan3A_2 : i32
    %scan3A_4 = arith.constant 1 : i32
    %scan3A_5 = scf.for %scan3A_31 = %scan3A_1 to %scan3A_3 step %scan3A_4 iter_args(%scan3A_32 = %scan3A) -> (i32)  : i32 {
      %broadcast_in_dim3A = arith.constant 0.000000e+00 : f32
      %broadcast_in_dim3A_33 = vector.broadcast %broadcast_in_dim3A : f32 to vector<16xf32>
      %mul3A_34 = arith.constant 16 : i32
      %mul3A_35 = arith.muli %scan3A_31, %mul3A_34 : i32
      %swap3A = arith.index_cast %mul3A_35 : i32 to index
      %swap3A_36 = tpu.vector_load %arg7[%swap3A] {strides = array<i32>} : memref<640xf32, #tpu.memory_space<vmem>>, vector<16xf32>,
      %swap3A_37 = vector.shape_cast %swap3A_36 : vector<16xf32> to vector<16xf32>
      %swap3A_38 = vector.shape_cast %broadcast_in_dim3A_33 : vector<16xf32> to vector<16xf32>
      tpu.vector_store %arg7[%swap3A], %swap3A_38 {strides = array<i32>} : memref<640xf32, #tpu.memory_space<vmem>>, vector<16xf32>,
      %scan3A_39 = arith.constant 0 : i32
      scf.yield %scan3A_39 : i32
    }
    %scan3A_6 = arith.constant 40 : i32
    %scan3A_7 = arith.constant 0 : i32
    %scan3A_8 = arith.constant 0 : i32
    %scan3A_9 = arith.constant 25 : i32
    %scan3A_10 = arith.addi %scan3A_8, %scan3A_9 : i32
    %scan3A_11 = arith.constant 1 : i32
    %scan3A_12 = scf.for %scan3A_31 = %scan3A_8 to %scan3A_10 step %scan3A_11 iter_args(%scan3A_32 = %scan3A_7) -> (i32)  : i32 {
      %broadcast_in_dim3A = arith.constant 1.000000e+00 : f32
      %broadcast_in_dim3A_33 = vector.broadcast %broadcast_in_dim3A : f32 to vector<16xf32>
      %mul3A_34 = arith.constant 16 : i32
      %mul3A_35 = arith.muli %scan3A_31, %mul3A_34 : i32
      %swap3A = arith.index_cast %mul3A_35 : i32 to index
      %swap3A_36 = tpu.vector_load %arg6[%swap3A] {strides = array<i32>} : memref<400xf32, #tpu.memory_space<vmem>>, vector<16xf32>,
      %swap3A_37 = vector.shape_cast %swap3A_36 : vector<16xf32> to vector<16xf32>
      %swap3A_38 = vector.shape_cast %broadcast_in_dim3A_33 : vector<16xf32> to vector<16xf32>
      tpu.vector_store %arg6[%swap3A], %swap3A_38 {strides = array<i32>} : memref<400xf32, #tpu.memory_space<vmem>>, vector<16xf32>,
      %scan3A_39 = arith.constant 0 : i32
      scf.yield %scan3A_39 : i32
    }
    %scan3A_13 = arith.constant 25 : i32
    %mul3A_14 = arith.constant 640 : i32
    %mul3A_15 = arith.muli %arg1, %mul3A_14 : i32
    "tpu.region"() ({
      %run_scoped3A = tpu.sem_alloc : memref<!tpu.dma_semaphore, #tpu.memory_space<semaphore_mem>>
      %dma_start3A = tpu.memref_slice %arg4[%mul3A_15] : memref<10240xf32, #tpu.memory_space<vmem_shared>> -> memref<640xf32, #tpu.memory_space<vmem_shared>>
      %dma_start3A_31 = tpu.memref_slice %arg4[%mul3A_15] : memref<10240xf32, #tpu.memory_space<vmem_shared>> -> memref<640xf32, #tpu.memory_space<vmem_shared>>
      tpu.enqueue_dma source(%arg7 : memref<640xf32, #tpu.memory_space<vmem>>) target(%dma_start3A_31 : memref<640xf32, #tpu.memory_space<vmem_shared>>) target_semaphore(%run_scoped3A : memref<!tpu.dma_semaphore, #tpu.memory_space<semaphore_mem>>)
      %dma_wait3A = tpu.memref_slice %arg4[%mul3A_15] : memref<10240xf32, #tpu.memory_space<vmem_shared>> -> memref<640xf32, #tpu.memory_space<vmem_shared>>
      %dma_wait3A_32 = tpu.memref_slice %arg4[%mul3A_15] : memref<10240xf32, #tpu.memory_space<vmem_shared>> -> memref<640xf32, #tpu.memory_space<vmem_shared>>
      tpu.wait_dma2 semaphore(%run_scoped3A : memref<!tpu.dma_semaphore, #tpu.memory_space<semaphore_mem>>) src(%arg7 : memref<640xf32, #tpu.memory_space<vmem>>) dst(%dma_wait3A_32 : memref<640xf32, #tpu.memory_space<vmem_shared>>)
      tpu.yield
    }) : () -> ()
    %barrier3A = arith.constant 0 : index
    tpu.barrier barrier_id(%barrier3A)
    %scan3A_16 = arith.constant 0 : i32
    %scan3A_17 = arith.constant 0 : i32
    %scan3A_18 = arith.constant 25 : i32
    %scan3A_19 = arith.addi %scan3A_17, %scan3A_18 : i32
    %scan3A_20 = arith.constant 1 : i32
    %scan3A_21 = scf.for %scan3A_31 = %scan3A_17 to %scan3A_19 step %scan3A_20 iter_args(%scan3A_32 = %scan3A_16) -> (i32)  : i32 {
      %mul3A_33 = arith.constant 10000 : i32
      %mul3A_34 = arith.muli %add3A, %mul3A_33 : i32
      %mul3A_35 = arith.constant 400 : i32
      %mul3A_36 = arith.muli %scan3A_31, %mul3A_35 : i32
      %add3A_37 = arith.addi %mul3A_34, %mul3A_36 : i32
      "tpu.region"() ({
        %run_scoped3A = tpu.sem_alloc : memref<!tpu.dma_semaphore, #tpu.memory_space<semaphore_mem>>
        %dma_start3A = tpu.memref_slice %arg2[%add3A_37] : memref<320000xi32, #tpu.memory_space<hbm>> -> memref<400xi32, #tpu.memory_space<hbm>>
        %dma_start3A_39 = tpu.memref_slice %arg2[%add3A_37] : memref<320000xi32, #tpu.memory_space<hbm>> -> memref<400xi32, #tpu.memory_space<hbm>>
        tpu.enqueue_dma source(%dma_start3A_39 : memref<400xi32, #tpu.memory_space<hbm>>) target(%arg5 : memref<400xi32, #tpu.memory_space<vmem>>) target_semaphore(%run_scoped3A : memref<!tpu.dma_semaphore, #tpu.memory_space<semaphore_mem>>)
        %dma_wait3A = tpu.memref_slice %arg2[%add3A_37] : memref<320000xi32, #tpu.memory_space<hbm>> -> memref<400xi32, #tpu.memory_space<hbm>>
        %dma_wait3A_40 = tpu.memref_slice %arg2[%add3A_37] : memref<320000xi32, #tpu.memory_space<hbm>> -> memref<400xi32, #tpu.memory_space<hbm>>
        tpu.wait_dma2 semaphore(%run_scoped3A : memref<!tpu.dma_semaphore, #tpu.memory_space<semaphore_mem>>) src(%dma_wait3A_40 : memref<400xi32, #tpu.memory_space<hbm>>) dst(%arg5 : memref<400xi32, #tpu.memory_space<vmem>>)
        tpu.yield
      }) : () -> ()
      "tpu.region"() ({
        %run_scoped3A = tpu.sem_alloc : memref<!tpu.dma_semaphore, #tpu.memory_space<semaphore_mem>>
        %dma_start3A = arith.constant 0 : i32
        %dma_start3A_39 = tpu.memref_slice %arg4[%dma_start3A] : memref<10240xf32, #tpu.memory_space<vmem_shared>> -> memref<10240xf32, #tpu.memory_space<vmem_shared>>
        tpu.enqueue_indirect_dma source(%arg6 : memref<400xf32, #tpu.memory_space<vmem>>) target(%dma_start3A_39 : memref<10240xf32, #tpu.memory_space<vmem_shared>>) offsets(%arg5 : memref<400xi32, #tpu.memory_space<vmem>>) semaphore(%run_scoped3A : memref<!tpu.dma_semaphore, #tpu.memory_space<semaphore_mem>>) {add = true}
        %dma_wait3A = arith.constant 0 : i32
        %dma_wait3A_40 = tpu.memref_slice %arg4[%dma_wait3A] : memref<10240xf32, #tpu.memory_space<vmem_shared>> -> memref<10240xf32, #tpu.memory_space<vmem_shared>>
        tpu.wait_indirect_dma semaphore(%run_scoped3A : memref<!tpu.dma_semaphore, #tpu.memory_space<semaphore_mem>>) src(%arg6 : memref<400xf32, #tpu.memory_space<vmem>>) dst(%dma_wait3A_40 : memref<10240xf32, #tpu.memory_space<vmem_shared>>)
        tpu.yield
      }) : () -> ()
      %scan3A_38 = arith.constant 0 : i32
      scf.yield %scan3A_38 : i32
    }
    %scan3A_22 = arith.constant 25 : i32
    %barrier3A_23 = arith.constant 0 : index
    tpu.barrier barrier_id(%barrier3A_23)
    %mul3A_24 = arith.constant 640 : i32
    %mul3A_25 = arith.muli %arg1, %mul3A_24 : i32
    %mul3A_26 = arith.constant 10240 : i32
    %mul3A_27 = arith.muli %arg0, %mul3A_26 : i32
    %mul3A_28 = arith.constant 640 : i32
    %mul3A_29 = arith.muli %arg1, %mul3A_28 : i32
    %add3A_30 = arith.addi %mul3A_27, %mul3A_29 : i32
    "tpu.region"() ({
      %run_scoped3A = tpu.sem_alloc : memref<!tpu.dma_semaphore, #tpu.memory_space<semaphore_mem>>
      %dma_start3A = tpu.memref_slice %arg3[%add3A_30] : memref<20480xf32, #tpu.memory_space<hbm>> -> memref<640xf32, #tpu.memory_space<hbm>>
      %dma_start3A_31 = tpu.memref_slice %arg4[%mul3A_25] : memref<10240xf32, #tpu.memory_space<vmem_shared>> -> memref<640xf32, #tpu.memory_space<vmem_shared>>
      tpu.enqueue_dma source(%dma_start3A_31 : memref<640xf32, #tpu.memory_space<vmem_shared>>) target(%dma_start3A : memref<640xf32, #tpu.memory_space<hbm>>) target_semaphore(%run_scoped3A : memref<!tpu.dma_semaphore, #tpu.memory_space<semaphore_mem>>)
      %dma_wait3A = tpu.memref_slice %arg3[%add3A_30] : memref<20480xf32, #tpu.memory_space<hbm>> -> memref<640xf32, #tpu.memory_space<hbm>>
      %dma_wait3A_32 = tpu.memref_slice %arg4[%mul3A_25] : memref<10240xf32, #tpu.memory_space<vmem_shared>> -> memref<640xf32, #tpu.memory_space<vmem_shared>>
      tpu.wait_dma2 semaphore(%run_scoped3A : memref<!tpu.dma_semaphore, #tpu.memory_space<semaphore_mem>>) src(%dma_wait3A_32 : memref<640xf32, #tpu.memory_space<vmem_shared>>) dst(%dma_wait3A : memref<640xf32, #tpu.memory_space<hbm>>)
      tpu.yield
    }) : () -> ()
    return
  }
}

#map = affine_map<(d0, d1) -> (0)>
#map1 = affine_map<(d0, d1) -> (0, 0)>
module attributes {stable_mosaic.version = 14 : i64} {
  func.func @edge_kernel(%arg0: i32, %arg1: i32, %arg2: memref<320000xi32, #tpu.memory_space<hbm>>, %arg3: memref<320000xi32, #tpu.memory_space<hbm>>, %arg4: memref<10000x96xf32, #tpu.memory_space<hbm>>, %arg5: memref<20000x96xf32, #tpu.memory_space<hbm>>, %arg6: memref<10000x96xf32, #tpu.memory_space<vmem_shared>>, %arg7: memref<200xi32, #tpu.memory_space<vmem>>, %arg8: memref<200xi32, #tpu.memory_space<vmem>>, %arg9: memref<200xi32, #tpu.memory_space<vmem>>, %arg10: memref<200xi32, #tpu.memory_space<vmem>>, %arg11: memref<200x96xf32, #tpu.memory_space<vmem>>, %arg12: memref<200x96xf32, #tpu.memory_space<vmem>>, %arg13: memref<!tpu.dma_semaphore, #tpu.memory_space<semaphore_mem>>, %arg14: memref<!tpu.dma_semaphore, #tpu.memory_space<semaphore_mem>>) attributes {dimension_semantics = [#tpu.dimension_semantics<core_parallel>, #tpu.dimension_semantics<subcore_parallel>], iteration_bounds = array<i64: 2, 16>, scalar_prefetch = 0 : i64, scratch_operands = 9 : i64, tpu.core_type = #tpu.core_type<sc_vector_subcore>, window_params = [{transform_indices = #map}, {transform_indices = #map}, {transform_indices = #map1}, {transform_indices = #map1}]} {
    %mul3A = arith.constant 16 : i32
    %mul3A_0 = arith.muli %arg0, %mul3A : i32
    %add3A = arith.addi %mul3A_0, %arg1 : i32
    %mul3A_1 = arith.constant 625 : i32
    %mul3A_2 = arith.muli %arg1, %mul3A_1 : i32
    %mul3A_3 = arith.constant 625 : i32
    %mul3A_4 = arith.muli %arg1, %mul3A_3 : i32
    "tpu.region"() ({
      %run_scoped3A = tpu.sem_alloc : memref<!tpu.dma_semaphore, #tpu.memory_space<semaphore_mem>>
      %dma_start3A = arith.constant 0 : i32
      %dma_start3A_19 = tpu.memref_slice %arg6[%mul3A_4, %dma_start3A] : memref<10000x96xf32, #tpu.memory_space<vmem_shared>> -> memref<625x96xf32, #tpu.memory_space<vmem_shared>>
      %dma_start3A_20 = arith.constant 0 : i32
      %dma_start3A_21 = tpu.memref_slice %arg4[%mul3A_2, %dma_start3A_20] : memref<10000x96xf32, #tpu.memory_space<hbm>> -> memref<625x96xf32, #tpu.memory_space<hbm>>
      tpu.enqueue_dma source(%dma_start3A_21 : memref<625x96xf32, #tpu.memory_space<hbm>>) target(%dma_start3A_19 : memref<625x96xf32, #tpu.memory_space<vmem_shared>>) target_semaphore(%run_scoped3A : memref<!tpu.dma_semaphore, #tpu.memory_space<semaphore_mem>>)
      %dma_wait3A = arith.constant 0 : i32
      %dma_wait3A_22 = tpu.memref_slice %arg6[%mul3A_4, %dma_wait3A] : memref<10000x96xf32, #tpu.memory_space<vmem_shared>> -> memref<625x96xf32, #tpu.memory_space<vmem_shared>>
      %dma_wait3A_23 = arith.constant 0 : i32
      %dma_wait3A_24 = tpu.memref_slice %arg4[%mul3A_2, %dma_wait3A_23] : memref<10000x96xf32, #tpu.memory_space<hbm>> -> memref<625x96xf32, #tpu.memory_space<hbm>>
      tpu.wait_dma2 semaphore(%run_scoped3A : memref<!tpu.dma_semaphore, #tpu.memory_space<semaphore_mem>>) src(%dma_wait3A_24 : memref<625x96xf32, #tpu.memory_space<hbm>>) dst(%dma_wait3A_22 : memref<625x96xf32, #tpu.memory_space<vmem_shared>>)
      tpu.yield
    }) : () -> ()
    %barrier3A = arith.constant 0 : index
    tpu.barrier barrier_id(%barrier3A)
    %scan3A = arith.constant 0 : i32
    %scan3A_5 = arith.constant 0 : i32
    %scan3A_6 = arith.constant 25 : i32
    %scan3A_7 = arith.addi %scan3A_5, %scan3A_6 : i32
    %scan3A_8 = arith.constant 1 : i32
    %scan3A_9 = scf.for %scan3A_19 = %scan3A_5 to %scan3A_7 step %scan3A_8 iter_args(%scan3A_20 = %scan3A) -> (i32)  : i32 {
      %mul3A_21 = arith.constant 10000 : i32
      %mul3A_22 = arith.muli %add3A, %mul3A_21 : i32
      %mul3A_23 = arith.constant 2 : i32
      %mul3A_24 = arith.muli %mul3A_23, %scan3A_19 : i32
      %mul3A_25 = arith.constant 200 : i32
      %mul3A_26 = arith.muli %mul3A_24, %mul3A_25 : i32
      %add3A_27 = arith.addi %mul3A_22, %mul3A_26 : i32
      %add3A_28 = arith.constant 200 : i32
      %add3A_29 = arith.addi %add3A_27, %add3A_28 : i32
      %dma_start3A = tpu.memref_slice %arg2[%add3A_27] : memref<320000xi32, #tpu.memory_space<hbm>> -> memref<200xi32, #tpu.memory_space<hbm>>
      %dma_start3A_30 = tpu.memref_slice %arg2[%add3A_27] : memref<320000xi32, #tpu.memory_space<hbm>> -> memref<200xi32, #tpu.memory_space<hbm>>
      tpu.enqueue_dma source(%dma_start3A_30 : memref<200xi32, #tpu.memory_space<hbm>>) target(%arg7 : memref<200xi32, #tpu.memory_space<vmem>>) target_semaphore(%arg13 : memref<!tpu.dma_semaphore, #tpu.memory_space<semaphore_mem>>)
      %dma_start3A_31 = tpu.memref_slice %arg3[%add3A_27] : memref<320000xi32, #tpu.memory_space<hbm>> -> memref<200xi32, #tpu.memory_space<hbm>>
      %dma_start3A_32 = tpu.memref_slice %arg3[%add3A_27] : memref<320000xi32, #tpu.memory_space<hbm>> -> memref<200xi32, #tpu.memory_space<hbm>>
      tpu.enqueue_dma source(%dma_start3A_32 : memref<200xi32, #tpu.memory_space<hbm>>) target(%arg8 : memref<200xi32, #tpu.memory_space<vmem>>) target_semaphore(%arg13 : memref<!tpu.dma_semaphore, #tpu.memory_space<semaphore_mem>>)
      %dma_start3A_33 = tpu.memref_slice %arg2[%add3A_29] : memref<320000xi32, #tpu.memory_space<hbm>> -> memref<200xi32, #tpu.memory_space<hbm>>
      %dma_start3A_34 = tpu.memref_slice %arg2[%add3A_29] : memref<320000xi32, #tpu.memory_space<hbm>> -> memref<200xi32, #tpu.memory_space<hbm>>
      tpu.enqueue_dma source(%dma_start3A_34 : memref<200xi32, #tpu.memory_space<hbm>>) target(%arg9 : memref<200xi32, #tpu.memory_space<vmem>>) target_semaphore(%arg13 : memref<!tpu.dma_semaphore, #tpu.memory_space<semaphore_mem>>)
      %dma_start3A_35 = tpu.memref_slice %arg3[%add3A_29] : memref<320000xi32, #tpu.memory_space<hbm>> -> memref<200xi32, #tpu.memory_space<hbm>>
      %dma_start3A_36 = tpu.memref_slice %arg3[%add3A_29] : memref<320000xi32, #tpu.memory_space<hbm>> -> memref<200xi32, #tpu.memory_space<hbm>>
      tpu.enqueue_dma source(%dma_start3A_36 : memref<200xi32, #tpu.memory_space<hbm>>) target(%arg10 : memref<200xi32, #tpu.memory_space<vmem>>) target_semaphore(%arg13 : memref<!tpu.dma_semaphore, #tpu.memory_space<semaphore_mem>>)
      %dma_wait3A = tpu.memref_slice %arg2[%add3A_27] : memref<320000xi32, #tpu.memory_space<hbm>> -> memref<200xi32, #tpu.memory_space<hbm>>
      %dma_wait3A_37 = tpu.memref_slice %arg2[%add3A_27] : memref<320000xi32, #tpu.memory_space<hbm>> -> memref<200xi32, #tpu.memory_space<hbm>>
      tpu.wait_dma2 semaphore(%arg13 : memref<!tpu.dma_semaphore, #tpu.memory_space<semaphore_mem>>) src(%dma_wait3A_37 : memref<200xi32, #tpu.memory_space<hbm>>) dst(%arg7 : memref<200xi32, #tpu.memory_space<vmem>>)
      %dma_wait3A_38 = tpu.memref_slice %arg3[%add3A_27] : memref<320000xi32, #tpu.memory_space<hbm>> -> memref<200xi32, #tpu.memory_space<hbm>>
      %dma_wait3A_39 = tpu.memref_slice %arg3[%add3A_27] : memref<320000xi32, #tpu.memory_space<hbm>> -> memref<200xi32, #tpu.memory_space<hbm>>
      tpu.wait_dma2 semaphore(%arg13 : memref<!tpu.dma_semaphore, #tpu.memory_space<semaphore_mem>>) src(%dma_wait3A_39 : memref<200xi32, #tpu.memory_space<hbm>>) dst(%arg8 : memref<200xi32, #tpu.memory_space<vmem>>)
      %dma_wait3A_40 = tpu.memref_slice %arg2[%add3A_29] : memref<320000xi32, #tpu.memory_space<hbm>> -> memref<200xi32, #tpu.memory_space<hbm>>
      %dma_wait3A_41 = tpu.memref_slice %arg2[%add3A_29] : memref<320000xi32, #tpu.memory_space<hbm>> -> memref<200xi32, #tpu.memory_space<hbm>>
      tpu.wait_dma2 semaphore(%arg13 : memref<!tpu.dma_semaphore, #tpu.memory_space<semaphore_mem>>) src(%dma_wait3A_41 : memref<200xi32, #tpu.memory_space<hbm>>) dst(%arg9 : memref<200xi32, #tpu.memory_space<vmem>>)
      %dma_wait3A_42 = tpu.memref_slice %arg3[%add3A_29] : memref<320000xi32, #tpu.memory_space<hbm>> -> memref<200xi32, #tpu.memory_space<hbm>>
      %dma_wait3A_43 = tpu.memref_slice %arg3[%add3A_29] : memref<320000xi32, #tpu.memory_space<hbm>> -> memref<200xi32, #tpu.memory_space<hbm>>
      tpu.wait_dma2 semaphore(%arg13 : memref<!tpu.dma_semaphore, #tpu.memory_space<semaphore_mem>>) src(%dma_wait3A_43 : memref<200xi32, #tpu.memory_space<hbm>>) dst(%arg10 : memref<200xi32, #tpu.memory_space<vmem>>)
      %dma_start3A_44 = arith.constant 0 : i32
      %dma_start3A_45 = arith.constant 0 : i32
      %dma_start3A_46 = tpu.memref_slice %arg4[%dma_start3A_44, %dma_start3A_45] : memref<10000x96xf32, #tpu.memory_space<hbm>> -> memref<10000x96xf32, #tpu.memory_space<hbm>>
      tpu.enqueue_indirect_dma source(%dma_start3A_46 : memref<10000x96xf32, #tpu.memory_space<hbm>>) target(%arg11 : memref<200x96xf32, #tpu.memory_space<vmem>>) offsets(%arg7 : memref<200xi32, #tpu.memory_space<vmem>>) semaphore(%arg14 : memref<!tpu.dma_semaphore, #tpu.memory_space<semaphore_mem>>)
      %dma_start3A_47 = arith.constant 0 : i32
      %dma_start3A_48 = arith.constant 0 : i32
      %dma_start3A_49 = tpu.memref_slice %arg4[%dma_start3A_47, %dma_start3A_48] : memref<10000x96xf32, #tpu.memory_space<hbm>> -> memref<10000x96xf32, #tpu.memory_space<hbm>>
      tpu.enqueue_indirect_dma source(%dma_start3A_49 : memref<10000x96xf32, #tpu.memory_space<hbm>>) target(%arg12 : memref<200x96xf32, #tpu.memory_space<vmem>>) offsets(%arg9 : memref<200xi32, #tpu.memory_space<vmem>>) semaphore(%arg14 : memref<!tpu.dma_semaphore, #tpu.memory_space<semaphore_mem>>)
      %dma_wait3A_50 = arith.constant 0 : i32
      %dma_wait3A_51 = arith.constant 0 : i32
      %dma_wait3A_52 = tpu.memref_slice %arg4[%dma_wait3A_50, %dma_wait3A_51] : memref<10000x96xf32, #tpu.memory_space<hbm>> -> memref<10000x96xf32, #tpu.memory_space<hbm>>
      tpu.wait_indirect_dma semaphore(%arg14 : memref<!tpu.dma_semaphore, #tpu.memory_space<semaphore_mem>>) src(%dma_wait3A_52 : memref<10000x96xf32, #tpu.memory_space<hbm>>) dst(%arg11 : memref<200x96xf32, #tpu.memory_space<vmem>>)
      "tpu.region"() ({
        %run_scoped3A = tpu.sem_alloc : memref<!tpu.dma_semaphore, #tpu.memory_space<semaphore_mem>>
        %dma_start3A_57 = arith.constant 0 : i32
        %dma_start3A_58 = arith.constant 0 : i32
        %dma_start3A_59 = tpu.memref_slice %arg6[%dma_start3A_57, %dma_start3A_58] : memref<10000x96xf32, #tpu.memory_space<vmem_shared>> -> memref<10000x96xf32, #tpu.memory_space<vmem_shared>>
        tpu.enqueue_indirect_dma source(%arg11 : memref<200x96xf32, #tpu.memory_space<vmem>>) target(%dma_start3A_59 : memref<10000x96xf32, #tpu.memory_space<vmem_shared>>) offsets(%arg8 : memref<200xi32, #tpu.memory_space<vmem>>) semaphore(%run_scoped3A : memref<!tpu.dma_semaphore, #tpu.memory_space<semaphore_mem>>) {add = true}
        %dma_wait3A_60 = arith.constant 0 : i32
        %dma_wait3A_61 = arith.constant 0 : i32
        %dma_wait3A_62 = tpu.memref_slice %arg6[%dma_wait3A_60, %dma_wait3A_61] : memref<10000x96xf32, #tpu.memory_space<vmem_shared>> -> memref<10000x96xf32, #tpu.memory_space<vmem_shared>>
        tpu.wait_indirect_dma semaphore(%run_scoped3A : memref<!tpu.dma_semaphore, #tpu.memory_space<semaphore_mem>>) src(%arg11 : memref<200x96xf32, #tpu.memory_space<vmem>>) dst(%dma_wait3A_62 : memref<10000x96xf32, #tpu.memory_space<vmem_shared>>)
        tpu.yield
      }) : () -> ()
      %dma_wait3A_53 = arith.constant 0 : i32
      %dma_wait3A_54 = arith.constant 0 : i32
      %dma_wait3A_55 = tpu.memref_slice %arg4[%dma_wait3A_53, %dma_wait3A_54] : memref<10000x96xf32, #tpu.memory_space<hbm>> -> memref<10000x96xf32, #tpu.memory_space<hbm>>
      tpu.wait_indirect_dma semaphore(%arg14 : memref<!tpu.dma_semaphore, #tpu.memory_space<semaphore_mem>>) src(%dma_wait3A_55 : memref<10000x96xf32, #tpu.memory_space<hbm>>) dst(%arg12 : memref<200x96xf32, #tpu.memory_space<vmem>>)
      "tpu.region"() ({
        %run_scoped3A = tpu.sem_alloc : memref<!tpu.dma_semaphore, #tpu.memory_space<semaphore_mem>>
        %dma_start3A_57 = arith.constant 0 : i32
        %dma_start3A_58 = arith.constant 0 : i32
        %dma_start3A_59 = tpu.memref_slice %arg6[%dma_start3A_57, %dma_start3A_58] : memref<10000x96xf32, #tpu.memory_space<vmem_shared>> -> memref<10000x96xf32, #tpu.memory_space<vmem_shared>>
        tpu.enqueue_indirect_dma source(%arg12 : memref<200x96xf32, #tpu.memory_space<vmem>>) target(%dma_start3A_59 : memref<10000x96xf32, #tpu.memory_space<vmem_shared>>) offsets(%arg10 : memref<200xi32, #tpu.memory_space<vmem>>) semaphore(%run_scoped3A : memref<!tpu.dma_semaphore, #tpu.memory_space<semaphore_mem>>) {add = true}
        %dma_wait3A_60 = arith.constant 0 : i32
        %dma_wait3A_61 = arith.constant 0 : i32
        %dma_wait3A_62 = tpu.memref_slice %arg6[%dma_wait3A_60, %dma_wait3A_61] : memref<10000x96xf32, #tpu.memory_space<vmem_shared>> -> memref<10000x96xf32, #tpu.memory_space<vmem_shared>>
        tpu.wait_indirect_dma semaphore(%run_scoped3A : memref<!tpu.dma_semaphore, #tpu.memory_space<semaphore_mem>>) src(%arg12 : memref<200x96xf32, #tpu.memory_space<vmem>>) dst(%dma_wait3A_62 : memref<10000x96xf32, #tpu.memory_space<vmem_shared>>)
        tpu.yield
      }) : () -> ()
      %scan3A_56 = arith.constant 0 : i32
      scf.yield %scan3A_56 : i32
    }
    %scan3A_10 = arith.constant 25 : i32
    %barrier3A_11 = arith.constant 0 : index
    tpu.barrier barrier_id(%barrier3A_11)
    %mul3A_12 = arith.constant 625 : i32
    %mul3A_13 = arith.muli %arg1, %mul3A_12 : i32
    %mul3A_14 = arith.constant 10000 : i32
    %mul3A_15 = arith.muli %arg0, %mul3A_14 : i32
    %mul3A_16 = arith.constant 625 : i32
    %mul3A_17 = arith.muli %arg1, %mul3A_16 : i32
    %add3A_18 = arith.addi %mul3A_15, %mul3A_17 : i32
    "tpu.region"() ({
      %run_scoped3A = tpu.sem_alloc : memref<!tpu.dma_semaphore, #tpu.memory_space<semaphore_mem>>
      %dma_start3A = arith.constant 0 : i32
      %dma_start3A_19 = tpu.memref_slice %arg5[%add3A_18, %dma_start3A] : memref<20000x96xf32, #tpu.memory_space<hbm>> -> memref<625x96xf32, #tpu.memory_space<hbm>>
      %dma_start3A_20 = arith.constant 0 : i32
      %dma_start3A_21 = tpu.memref_slice %arg6[%mul3A_13, %dma_start3A_20] : memref<10000x96xf32, #tpu.memory_space<vmem_shared>> -> memref<625x96xf32, #tpu.memory_space<vmem_shared>>
      tpu.enqueue_dma source(%dma_start3A_21 : memref<625x96xf32, #tpu.memory_space<vmem_shared>>) target(%dma_start3A_19 : memref<625x96xf32, #tpu.memory_space<hbm>>) target_semaphore(%run_scoped3A : memref<!tpu.dma_semaphore, #tpu.memory_space<semaphore_mem>>)
      %dma_wait3A = arith.constant 0 : i32
      %dma_wait3A_22 = tpu.memref_slice %arg5[%add3A_18, %dma_wait3A] : memref<20000x96xf32, #tpu.memory_space<hbm>> -> memref<625x96xf32, #tpu.memory_space<hbm>>
      %dma_wait3A_23 = arith.constant 0 : i32
      %dma_wait3A_24 = tpu.memref_slice %arg6[%mul3A_13, %dma_wait3A_23] : memref<10000x96xf32, #tpu.memory_space<vmem_shared>> -> memref<625x96xf32, #tpu.memory_space<vmem_shared>>
      tpu.wait_dma2 semaphore(%run_scoped3A : memref<!tpu.dma_semaphore, #tpu.memory_space<semaphore_mem>>) src(%dma_wait3A_24 : memref<625x96xf32, #tpu.memory_space<vmem_shared>>) dst(%dma_wait3A_22 : memref<625x96xf32, #tpu.memory_space<hbm>>)
      tpu.yield
    }) : () -> ()
    return
  }
}

#map = affine_map<(d0, d1) -> (0)>
#map1 = affine_map<(d0, d1) -> (0, 0)>
module attributes {stable_mosaic.version = 14 : i64} {
  func.func @edge_kernel(%arg0: i32, %arg1: i32, %arg2: memref<320000xi32, #tpu.memory_space<hbm>>, %arg3: memref<320000xi32, #tpu.memory_space<hbm>>, %arg4: memref<10000x96xf32, #tpu.memory_space<hbm>>, %arg5: memref<20000x96xf32, #tpu.memory_space<hbm>>, %arg6: memref<10000x96xf32, #tpu.memory_space<vmem_shared>>, %arg7: memref<200xi32, #tpu.memory_space<vmem>>, %arg8: memref<200xi32, #tpu.memory_space<vmem>>, %arg9: memref<200xi32, #tpu.memory_space<vmem>>, %arg10: memref<200xi32, #tpu.memory_space<vmem>>, %arg11: memref<200x96xf32, #tpu.memory_space<vmem>>, %arg12: memref<200x96xf32, #tpu.memory_space<vmem>>, %arg13: memref<!tpu.dma_semaphore, #tpu.memory_space<semaphore_mem>>, %arg14: memref<!tpu.dma_semaphore, #tpu.memory_space<semaphore_mem>>) attributes {dimension_semantics = [#tpu.dimension_semantics<core_parallel>, #tpu.dimension_semantics<subcore_parallel>], iteration_bounds = array<i64: 2, 16>, scalar_prefetch = 0 : i64, scratch_operands = 9 : i64, tpu.core_type = #tpu.core_type<sc_vector_subcore>, window_params = [{transform_indices = #map}, {transform_indices = #map}, {transform_indices = #map1}, {transform_indices = #map1}]} {
    %mul3A = arith.constant 16 : i32
    %mul3A_0 = arith.muli %arg0, %mul3A : i32
    %add3A = arith.addi %mul3A_0, %arg1 : i32
    %mul3A_1 = arith.constant 625 : i32
    %mul3A_2 = arith.muli %arg1, %mul3A_1 : i32
    %mul3A_3 = arith.constant 625 : i32
    %mul3A_4 = arith.muli %arg1, %mul3A_3 : i32
    "tpu.region"() ({
      %run_scoped3A = tpu.sem_alloc : memref<!tpu.dma_semaphore, #tpu.memory_space<semaphore_mem>>
      %dma_start3A = arith.constant 0 : i32
      %dma_start3A_19 = tpu.memref_slice %arg6[%mul3A_4, %dma_start3A] : memref<10000x96xf32, #tpu.memory_space<vmem_shared>> -> memref<625x96xf32, #tpu.memory_space<vmem_shared>>
      %dma_start3A_20 = arith.constant 0 : i32
      %dma_start3A_21 = tpu.memref_slice %arg4[%mul3A_2, %dma_start3A_20] : memref<10000x96xf32, #tpu.memory_space<hbm>> -> memref<625x96xf32, #tpu.memory_space<hbm>>
      tpu.enqueue_dma source(%dma_start3A_21 : memref<625x96xf32, #tpu.memory_space<hbm>>) target(%dma_start3A_19 : memref<625x96xf32, #tpu.memory_space<vmem_shared>>) target_semaphore(%run_scoped3A : memref<!tpu.dma_semaphore, #tpu.memory_space<semaphore_mem>>)
      %dma_wait3A = arith.constant 0 : i32
      %dma_wait3A_22 = tpu.memref_slice %arg6[%mul3A_4, %dma_wait3A] : memref<10000x96xf32, #tpu.memory_space<vmem_shared>> -> memref<625x96xf32, #tpu.memory_space<vmem_shared>>
      %dma_wait3A_23 = arith.constant 0 : i32
      %dma_wait3A_24 = tpu.memref_slice %arg4[%mul3A_2, %dma_wait3A_23] : memref<10000x96xf32, #tpu.memory_space<hbm>> -> memref<625x96xf32, #tpu.memory_space<hbm>>
      tpu.wait_dma2 semaphore(%run_scoped3A : memref<!tpu.dma_semaphore, #tpu.memory_space<semaphore_mem>>) src(%dma_wait3A_24 : memref<625x96xf32, #tpu.memory_space<hbm>>) dst(%dma_wait3A_22 : memref<625x96xf32, #tpu.memory_space<vmem_shared>>)
      tpu.yield
    }) : () -> ()
    %barrier3A = arith.constant 0 : index
    tpu.barrier barrier_id(%barrier3A)
    %scan3A = arith.constant 0 : i32
    %scan3A_5 = arith.constant 0 : i32
    %scan3A_6 = arith.constant 25 : i32
    %scan3A_7 = arith.addi %scan3A_5, %scan3A_6 : i32
    %scan3A_8 = arith.constant 1 : i32
    %scan3A_9 = scf.for %scan3A_19 = %scan3A_5 to %scan3A_7 step %scan3A_8 iter_args(%scan3A_20 = %scan3A) -> (i32)  : i32 {
      %mul3A_21 = arith.constant 10000 : i32
      %mul3A_22 = arith.muli %add3A, %mul3A_21 : i32
      %mul3A_23 = arith.constant 2 : i32
      %mul3A_24 = arith.muli %mul3A_23, %scan3A_19 : i32
      %mul3A_25 = arith.constant 200 : i32
      %mul3A_26 = arith.muli %mul3A_24, %mul3A_25 : i32
      %add3A_27 = arith.addi %mul3A_22, %mul3A_26 : i32
      %add3A_28 = arith.constant 200 : i32
      %add3A_29 = arith.addi %add3A_27, %add3A_28 : i32
      %dma_start3A = tpu.memref_slice %arg2[%add3A_27] : memref<320000xi32, #tpu.memory_space<hbm>> -> memref<200xi32, #tpu.memory_space<hbm>>
      %dma_start3A_30 = tpu.memref_slice %arg2[%add3A_27] : memref<320000xi32, #tpu.memory_space<hbm>> -> memref<200xi32, #tpu.memory_space<hbm>>
      tpu.enqueue_dma source(%dma_start3A_30 : memref<200xi32, #tpu.memory_space<hbm>>) target(%arg7 : memref<200xi32, #tpu.memory_space<vmem>>) target_semaphore(%arg13 : memref<!tpu.dma_semaphore, #tpu.memory_space<semaphore_mem>>)
      %dma_start3A_31 = tpu.memref_slice %arg3[%add3A_27] : memref<320000xi32, #tpu.memory_space<hbm>> -> memref<200xi32, #tpu.memory_space<hbm>>
      %dma_start3A_32 = tpu.memref_slice %arg3[%add3A_27] : memref<320000xi32, #tpu.memory_space<hbm>> -> memref<200xi32, #tpu.memory_space<hbm>>
      tpu.enqueue_dma source(%dma_start3A_32 : memref<200xi32, #tpu.memory_space<hbm>>) target(%arg8 : memref<200xi32, #tpu.memory_space<vmem>>) target_semaphore(%arg13 : memref<!tpu.dma_semaphore, #tpu.memory_space<semaphore_mem>>)
      %dma_start3A_33 = tpu.memref_slice %arg2[%add3A_29] : memref<320000xi32, #tpu.memory_space<hbm>> -> memref<200xi32, #tpu.memory_space<hbm>>
      %dma_start3A_34 = tpu.memref_slice %arg2[%add3A_29] : memref<320000xi32, #tpu.memory_space<hbm>> -> memref<200xi32, #tpu.memory_space<hbm>>
      tpu.enqueue_dma source(%dma_start3A_34 : memref<200xi32, #tpu.memory_space<hbm>>) target(%arg9 : memref<200xi32, #tpu.memory_space<vmem>>) target_semaphore(%arg13 : memref<!tpu.dma_semaphore, #tpu.memory_space<semaphore_mem>>)
      %dma_start3A_35 = tpu.memref_slice %arg3[%add3A_29] : memref<320000xi32, #tpu.memory_space<hbm>> -> memref<200xi32, #tpu.memory_space<hbm>>
      %dma_start3A_36 = tpu.memref_slice %arg3[%add3A_29] : memref<320000xi32, #tpu.memory_space<hbm>> -> memref<200xi32, #tpu.memory_space<hbm>>
      tpu.enqueue_dma source(%dma_start3A_36 : memref<200xi32, #tpu.memory_space<hbm>>) target(%arg10 : memref<200xi32, #tpu.memory_space<vmem>>) target_semaphore(%arg13 : memref<!tpu.dma_semaphore, #tpu.memory_space<semaphore_mem>>)
      %dma_wait3A = tpu.memref_slice %arg2[%add3A_27] : memref<320000xi32, #tpu.memory_space<hbm>> -> memref<200xi32, #tpu.memory_space<hbm>>
      %dma_wait3A_37 = tpu.memref_slice %arg2[%add3A_27] : memref<320000xi32, #tpu.memory_space<hbm>> -> memref<200xi32, #tpu.memory_space<hbm>>
      tpu.wait_dma2 semaphore(%arg13 : memref<!tpu.dma_semaphore, #tpu.memory_space<semaphore_mem>>) src(%dma_wait3A_37 : memref<200xi32, #tpu.memory_space<hbm>>) dst(%arg7 : memref<200xi32, #tpu.memory_space<vmem>>)
      %dma_wait3A_38 = tpu.memref_slice %arg3[%add3A_27] : memref<320000xi32, #tpu.memory_space<hbm>> -> memref<200xi32, #tpu.memory_space<hbm>>
      %dma_wait3A_39 = tpu.memref_slice %arg3[%add3A_27] : memref<320000xi32, #tpu.memory_space<hbm>> -> memref<200xi32, #tpu.memory_space<hbm>>
      tpu.wait_dma2 semaphore(%arg13 : memref<!tpu.dma_semaphore, #tpu.memory_space<semaphore_mem>>) src(%dma_wait3A_39 : memref<200xi32, #tpu.memory_space<hbm>>) dst(%arg8 : memref<200xi32, #tpu.memory_space<vmem>>)
      %dma_wait3A_40 = tpu.memref_slice %arg2[%add3A_29] : memref<320000xi32, #tpu.memory_space<hbm>> -> memref<200xi32, #tpu.memory_space<hbm>>
      %dma_wait3A_41 = tpu.memref_slice %arg2[%add3A_29] : memref<320000xi32, #tpu.memory_space<hbm>> -> memref<200xi32, #tpu.memory_space<hbm>>
      tpu.wait_dma2 semaphore(%arg13 : memref<!tpu.dma_semaphore, #tpu.memory_space<semaphore_mem>>) src(%dma_wait3A_41 : memref<200xi32, #tpu.memory_space<hbm>>) dst(%arg9 : memref<200xi32, #tpu.memory_space<vmem>>)
      %dma_wait3A_42 = tpu.memref_slice %arg3[%add3A_29] : memref<320000xi32, #tpu.memory_space<hbm>> -> memref<200xi32, #tpu.memory_space<hbm>>
      %dma_wait3A_43 = tpu.memref_slice %arg3[%add3A_29] : memref<320000xi32, #tpu.memory_space<hbm>> -> memref<200xi32, #tpu.memory_space<hbm>>
      tpu.wait_dma2 semaphore(%arg13 : memref<!tpu.dma_semaphore, #tpu.memory_space<semaphore_mem>>) src(%dma_wait3A_43 : memref<200xi32, #tpu.memory_space<hbm>>) dst(%arg10 : memref<200xi32, #tpu.memory_space<vmem>>)
      %dma_start3A_44 = arith.constant 0 : i32
      %dma_start3A_45 = arith.constant 0 : i32
      %dma_start3A_46 = tpu.memref_slice %arg4[%dma_start3A_44, %dma_start3A_45] : memref<10000x96xf32, #tpu.memory_space<hbm>> -> memref<10000x96xf32, #tpu.memory_space<hbm>>
      tpu.enqueue_indirect_dma source(%dma_start3A_46 : memref<10000x96xf32, #tpu.memory_space<hbm>>) target(%arg11 : memref<200x96xf32, #tpu.memory_space<vmem>>) offsets(%arg7 : memref<200xi32, #tpu.memory_space<vmem>>) semaphore(%arg14 : memref<!tpu.dma_semaphore, #tpu.memory_space<semaphore_mem>>)
      %dma_start3A_47 = arith.constant 0 : i32
      %dma_start3A_48 = arith.constant 0 : i32
      %dma_start3A_49 = tpu.memref_slice %arg4[%dma_start3A_47, %dma_start3A_48] : memref<10000x96xf32, #tpu.memory_space<hbm>> -> memref<10000x96xf32, #tpu.memory_space<hbm>>
      tpu.enqueue_indirect_dma source(%dma_start3A_49 : memref<10000x96xf32, #tpu.memory_space<hbm>>) target(%arg12 : memref<200x96xf32, #tpu.memory_space<vmem>>) offsets(%arg9 : memref<200xi32, #tpu.memory_space<vmem>>) semaphore(%arg14 : memref<!tpu.dma_semaphore, #tpu.memory_space<semaphore_mem>>)
      %dma_wait3A_50 = arith.constant 0 : i32
      %dma_wait3A_51 = arith.constant 0 : i32
      %dma_wait3A_52 = tpu.memref_slice %arg4[%dma_wait3A_50, %dma_wait3A_51] : memref<10000x96xf32, #tpu.memory_space<hbm>> -> memref<10000x96xf32, #tpu.memory_space<hbm>>
      tpu.wait_indirect_dma semaphore(%arg14 : memref<!tpu.dma_semaphore, #tpu.memory_space<semaphore_mem>>) src(%dma_wait3A_52 : memref<10000x96xf32, #tpu.memory_space<hbm>>) dst(%arg11 : memref<200x96xf32, #tpu.memory_space<vmem>>)
      "tpu.region"() ({
        %run_scoped3A = tpu.sem_alloc : memref<!tpu.dma_semaphore, #tpu.memory_space<semaphore_mem>>
        %dma_start3A_57 = arith.constant 0 : i32
        %dma_start3A_58 = arith.constant 0 : i32
        %dma_start3A_59 = tpu.memref_slice %arg6[%dma_start3A_57, %dma_start3A_58] : memref<10000x96xf32, #tpu.memory_space<vmem_shared>> -> memref<10000x96xf32, #tpu.memory_space<vmem_shared>>
        tpu.enqueue_indirect_dma source(%arg11 : memref<200x96xf32, #tpu.memory_space<vmem>>) target(%dma_start3A_59 : memref<10000x96xf32, #tpu.memory_space<vmem_shared>>) offsets(%arg8 : memref<200xi32, #tpu.memory_space<vmem>>) semaphore(%run_scoped3A : memref<!tpu.dma_semaphore, #tpu.memory_space<semaphore_mem>>) {add = true}
        %dma_wait3A_60 = arith.constant 0 : i32
        %dma_wait3A_61 = arith.constant 0 : i32
        %dma_wait3A_62 = tpu.memref_slice %arg6[%dma_wait3A_60, %dma_wait3A_61] : memref<10000x96xf32, #tpu.memory_space<vmem_shared>> -> memref<10000x96xf32, #tpu.memory_space<vmem_shared>>
        tpu.wait_indirect_dma semaphore(%run_scoped3A : memref<!tpu.dma_semaphore, #tpu.memory_space<semaphore_mem>>) src(%arg11 : memref<200x96xf32, #tpu.memory_space<vmem>>) dst(%dma_wait3A_62 : memref<10000x96xf32, #tpu.memory_space<vmem_shared>>)
        tpu.yield
      }) : () -> ()
      %dma_wait3A_53 = arith.constant 0 : i32
      %dma_wait3A_54 = arith.constant 0 : i32
      %dma_wait3A_55 = tpu.memref_slice %arg4[%dma_wait3A_53, %dma_wait3A_54] : memref<10000x96xf32, #tpu.memory_space<hbm>> -> memref<10000x96xf32, #tpu.memory_space<hbm>>
      tpu.wait_indirect_dma semaphore(%arg14 : memref<!tpu.dma_semaphore, #tpu.memory_space<semaphore_mem>>) src(%dma_wait3A_55 : memref<10000x96xf32, #tpu.memory_space<hbm>>) dst(%arg12 : memref<200x96xf32, #tpu.memory_space<vmem>>)
      "tpu.region"() ({
        %run_scoped3A = tpu.sem_alloc : memref<!tpu.dma_semaphore, #tpu.memory_space<semaphore_mem>>
        %dma_start3A_57 = arith.constant 0 : i32
        %dma_start3A_58 = arith.constant 0 : i32
        %dma_start3A_59 = tpu.memref_slice %arg6[%dma_start3A_57, %dma_start3A_58] : memref<10000x96xf32, #tpu.memory_space<vmem_shared>> -> memref<10000x96xf32, #tpu.memory_space<vmem_shared>>
        tpu.enqueue_indirect_dma source(%arg12 : memref<200x96xf32, #tpu.memory_space<vmem>>) target(%dma_start3A_59 : memref<10000x96xf32, #tpu.memory_space<vmem_shared>>) offsets(%arg10 : memref<200xi32, #tpu.memory_space<vmem>>) semaphore(%run_scoped3A : memref<!tpu.dma_semaphore, #tpu.memory_space<semaphore_mem>>) {add = true}
        %dma_wait3A_60 = arith.constant 0 : i32
        %dma_wait3A_61 = arith.constant 0 : i32
        %dma_wait3A_62 = tpu.memref_slice %arg6[%dma_wait3A_60, %dma_wait3A_61] : memref<10000x96xf32, #tpu.memory_space<vmem_shared>> -> memref<10000x96xf32, #tpu.memory_space<vmem_shared>>
        tpu.wait_indirect_dma semaphore(%run_scoped3A : memref<!tpu.dma_semaphore, #tpu.memory_space<semaphore_mem>>) src(%arg12 : memref<200x96xf32, #tpu.memory_space<vmem>>) dst(%dma_wait3A_62 : memref<10000x96xf32, #tpu.memory_space<vmem_shared>>)
        tpu.yield
      }) : () -> ()
      %scan3A_56 = arith.constant 0 : i32
      scf.yield %scan3A_56 : i32
    }
    %scan3A_10 = arith.constant 25 : i32
    %barrier3A_11 = arith.constant 0 : index
    tpu.barrier barrier_id(%barrier3A_11)
    %mul3A_12 = arith.constant 625 : i32
    %mul3A_13 = arith.muli %arg1, %mul3A_12 : i32
    %mul3A_14 = arith.constant 10000 : i32
    %mul3A_15 = arith.muli %arg0, %mul3A_14 : i32
    %mul3A_16 = arith.constant 625 : i32
    %mul3A_17 = arith.muli %arg1, %mul3A_16 : i32
    %add3A_18 = arith.addi %mul3A_15, %mul3A_17 : i32
    "tpu.region"() ({
      %run_scoped3A = tpu.sem_alloc : memref<!tpu.dma_semaphore, #tpu.memory_space<semaphore_mem>>
      %dma_start3A = arith.constant 0 : i32
      %dma_start3A_19 = tpu.memref_slice %arg5[%add3A_18, %dma_start3A] : memref<20000x96xf32, #tpu.memory_space<hbm>> -> memref<625x96xf32, #tpu.memory_space<hbm>>
      %dma_start3A_20 = arith.constant 0 : i32
      %dma_start3A_21 = tpu.memref_slice %arg6[%mul3A_13, %dma_start3A_20] : memref<10000x96xf32, #tpu.memory_space<vmem_shared>> -> memref<625x96xf32, #tpu.memory_space<vmem_shared>>
      tpu.enqueue_dma source(%dma_start3A_21 : memref<625x96xf32, #tpu.memory_space<vmem_shared>>) target(%dma_start3A_19 : memref<625x96xf32, #tpu.memory_space<hbm>>) target_semaphore(%run_scoped3A : memref<!tpu.dma_semaphore, #tpu.memory_space<semaphore_mem>>)
      %dma_wait3A = arith.constant 0 : i32
      %dma_wait3A_22 = tpu.memref_slice %arg5[%add3A_18, %dma_wait3A] : memref<20000x96xf32, #tpu.memory_space<hbm>> -> memref<625x96xf32, #tpu.memory_space<hbm>>
      %dma_wait3A_23 = arith.constant 0 : i32
      %dma_wait3A_24 = tpu.memref_slice %arg6[%mul3A_13, %dma_wait3A_23] : memref<10000x96xf32, #tpu.memory_space<vmem_shared>> -> memref<625x96xf32, #tpu.memory_space<vmem_shared>>
      tpu.wait_dma2 semaphore(%run_scoped3A : memref<!tpu.dma_semaphore, #tpu.memory_space<semaphore_mem>>) src(%dma_wait3A_24 : memref<625x96xf32, #tpu.memory_space<vmem_shared>>) dst(%dma_wait3A_22 : memref<625x96xf32, #tpu.memory_space<hbm>>)
      tpu.yield
    }) : () -> ()
    return
  }
}

#map = affine_map<(d0, d1) -> (0)>
#map1 = affine_map<(d0, d1) -> (0, 0)>
module attributes {stable_mosaic.version = 14 : i64} {
  func.func @edge_kernel(%arg0: i32, %arg1: i32, %arg2: memref<320000xi32, #tpu.memory_space<hbm>>, %arg3: memref<320000xi32, #tpu.memory_space<hbm>>, %arg4: memref<10000x96xf32, #tpu.memory_space<hbm>>, %arg5: memref<20000x96xf32, #tpu.memory_space<hbm>>, %arg6: memref<10000x96xf32, #tpu.memory_space<vmem_shared>>, %arg7: memref<200xi32, #tpu.memory_space<vmem>>, %arg8: memref<200xi32, #tpu.memory_space<vmem>>, %arg9: memref<200xi32, #tpu.memory_space<vmem>>, %arg10: memref<200xi32, #tpu.memory_space<vmem>>, %arg11: memref<200x96xf32, #tpu.memory_space<vmem>>, %arg12: memref<200x96xf32, #tpu.memory_space<vmem>>, %arg13: memref<!tpu.dma_semaphore, #tpu.memory_space<semaphore_mem>>, %arg14: memref<!tpu.dma_semaphore, #tpu.memory_space<semaphore_mem>>) attributes {dimension_semantics = [#tpu.dimension_semantics<core_parallel>, #tpu.dimension_semantics<subcore_parallel>], iteration_bounds = array<i64: 2, 16>, scalar_prefetch = 0 : i64, scratch_operands = 9 : i64, tpu.core_type = #tpu.core_type<sc_vector_subcore>, window_params = [{transform_indices = #map}, {transform_indices = #map}, {transform_indices = #map1}, {transform_indices = #map1}]} {
    %mul3A = arith.constant 16 : i32
    %mul3A_0 = arith.muli %arg0, %mul3A : i32
    %add3A = arith.addi %mul3A_0, %arg1 : i32
    %mul3A_1 = arith.constant 625 : i32
    %mul3A_2 = arith.muli %arg1, %mul3A_1 : i32
    %mul3A_3 = arith.constant 625 : i32
    %mul3A_4 = arith.muli %arg1, %mul3A_3 : i32
    "tpu.region"() ({
      %run_scoped3A = tpu.sem_alloc : memref<!tpu.dma_semaphore, #tpu.memory_space<semaphore_mem>>
      %dma_start3A = arith.constant 0 : i32
      %dma_start3A_19 = tpu.memref_slice %arg6[%mul3A_4, %dma_start3A] : memref<10000x96xf32, #tpu.memory_space<vmem_shared>> -> memref<625x96xf32, #tpu.memory_space<vmem_shared>>
      %dma_start3A_20 = arith.constant 0 : i32
      %dma_start3A_21 = tpu.memref_slice %arg4[%mul3A_2, %dma_start3A_20] : memref<10000x96xf32, #tpu.memory_space<hbm>> -> memref<625x96xf32, #tpu.memory_space<hbm>>
      tpu.enqueue_dma source(%dma_start3A_21 : memref<625x96xf32, #tpu.memory_space<hbm>>) target(%dma_start3A_19 : memref<625x96xf32, #tpu.memory_space<vmem_shared>>) target_semaphore(%run_scoped3A : memref<!tpu.dma_semaphore, #tpu.memory_space<semaphore_mem>>)
      %dma_wait3A = arith.constant 0 : i32
      %dma_wait3A_22 = tpu.memref_slice %arg6[%mul3A_4, %dma_wait3A] : memref<10000x96xf32, #tpu.memory_space<vmem_shared>> -> memref<625x96xf32, #tpu.memory_space<vmem_shared>>
      %dma_wait3A_23 = arith.constant 0 : i32
      %dma_wait3A_24 = tpu.memref_slice %arg4[%mul3A_2, %dma_wait3A_23] : memref<10000x96xf32, #tpu.memory_space<hbm>> -> memref<625x96xf32, #tpu.memory_space<hbm>>
      tpu.wait_dma2 semaphore(%run_scoped3A : memref<!tpu.dma_semaphore, #tpu.memory_space<semaphore_mem>>) src(%dma_wait3A_24 : memref<625x96xf32, #tpu.memory_space<hbm>>) dst(%dma_wait3A_22 : memref<625x96xf32, #tpu.memory_space<vmem_shared>>)
      tpu.yield
    }) : () -> ()
    %barrier3A = arith.constant 0 : index
    tpu.barrier barrier_id(%barrier3A)
    %scan3A = arith.constant 0 : i32
    %scan3A_5 = arith.constant 0 : i32
    %scan3A_6 = arith.constant 25 : i32
    %scan3A_7 = arith.addi %scan3A_5, %scan3A_6 : i32
    %scan3A_8 = arith.constant 1 : i32
    %scan3A_9 = scf.for %scan3A_19 = %scan3A_5 to %scan3A_7 step %scan3A_8 iter_args(%scan3A_20 = %scan3A) -> (i32)  : i32 {
      %mul3A_21 = arith.constant 10000 : i32
      %mul3A_22 = arith.muli %add3A, %mul3A_21 : i32
      %mul3A_23 = arith.constant 2 : i32
      %mul3A_24 = arith.muli %mul3A_23, %scan3A_19 : i32
      %mul3A_25 = arith.constant 200 : i32
      %mul3A_26 = arith.muli %mul3A_24, %mul3A_25 : i32
      %add3A_27 = arith.addi %mul3A_22, %mul3A_26 : i32
      %add3A_28 = arith.constant 200 : i32
      %add3A_29 = arith.addi %add3A_27, %add3A_28 : i32
      %dma_start3A = tpu.memref_slice %arg2[%add3A_27] : memref<320000xi32, #tpu.memory_space<hbm>> -> memref<200xi32, #tpu.memory_space<hbm>>
      %dma_start3A_30 = tpu.memref_slice %arg2[%add3A_27] : memref<320000xi32, #tpu.memory_space<hbm>> -> memref<200xi32, #tpu.memory_space<hbm>>
      tpu.enqueue_dma source(%dma_start3A_30 : memref<200xi32, #tpu.memory_space<hbm>>) target(%arg7 : memref<200xi32, #tpu.memory_space<vmem>>) target_semaphore(%arg13 : memref<!tpu.dma_semaphore, #tpu.memory_space<semaphore_mem>>)
      %dma_start3A_31 = tpu.memref_slice %arg3[%add3A_27] : memref<320000xi32, #tpu.memory_space<hbm>> -> memref<200xi32, #tpu.memory_space<hbm>>
      %dma_start3A_32 = tpu.memref_slice %arg3[%add3A_27] : memref<320000xi32, #tpu.memory_space<hbm>> -> memref<200xi32, #tpu.memory_space<hbm>>
      tpu.enqueue_dma source(%dma_start3A_32 : memref<200xi32, #tpu.memory_space<hbm>>) target(%arg8 : memref<200xi32, #tpu.memory_space<vmem>>) target_semaphore(%arg13 : memref<!tpu.dma_semaphore, #tpu.memory_space<semaphore_mem>>)
      %dma_start3A_33 = tpu.memref_slice %arg2[%add3A_29] : memref<320000xi32, #tpu.memory_space<hbm>> -> memref<200xi32, #tpu.memory_space<hbm>>
      %dma_start3A_34 = tpu.memref_slice %arg2[%add3A_29] : memref<320000xi32, #tpu.memory_space<hbm>> -> memref<200xi32, #tpu.memory_space<hbm>>
      tpu.enqueue_dma source(%dma_start3A_34 : memref<200xi32, #tpu.memory_space<hbm>>) target(%arg9 : memref<200xi32, #tpu.memory_space<vmem>>) target_semaphore(%arg13 : memref<!tpu.dma_semaphore, #tpu.memory_space<semaphore_mem>>)
      %dma_start3A_35 = tpu.memref_slice %arg3[%add3A_29] : memref<320000xi32, #tpu.memory_space<hbm>> -> memref<200xi32, #tpu.memory_space<hbm>>
      %dma_start3A_36 = tpu.memref_slice %arg3[%add3A_29] : memref<320000xi32, #tpu.memory_space<hbm>> -> memref<200xi32, #tpu.memory_space<hbm>>
      tpu.enqueue_dma source(%dma_start3A_36 : memref<200xi32, #tpu.memory_space<hbm>>) target(%arg10 : memref<200xi32, #tpu.memory_space<vmem>>) target_semaphore(%arg13 : memref<!tpu.dma_semaphore, #tpu.memory_space<semaphore_mem>>)
      %dma_wait3A = tpu.memref_slice %arg2[%add3A_27] : memref<320000xi32, #tpu.memory_space<hbm>> -> memref<200xi32, #tpu.memory_space<hbm>>
      %dma_wait3A_37 = tpu.memref_slice %arg2[%add3A_27] : memref<320000xi32, #tpu.memory_space<hbm>> -> memref<200xi32, #tpu.memory_space<hbm>>
      tpu.wait_dma2 semaphore(%arg13 : memref<!tpu.dma_semaphore, #tpu.memory_space<semaphore_mem>>) src(%dma_wait3A_37 : memref<200xi32, #tpu.memory_space<hbm>>) dst(%arg7 : memref<200xi32, #tpu.memory_space<vmem>>)
      %dma_wait3A_38 = tpu.memref_slice %arg3[%add3A_27] : memref<320000xi32, #tpu.memory_space<hbm>> -> memref<200xi32, #tpu.memory_space<hbm>>
      %dma_wait3A_39 = tpu.memref_slice %arg3[%add3A_27] : memref<320000xi32, #tpu.memory_space<hbm>> -> memref<200xi32, #tpu.memory_space<hbm>>
      tpu.wait_dma2 semaphore(%arg13 : memref<!tpu.dma_semaphore, #tpu.memory_space<semaphore_mem>>) src(%dma_wait3A_39 : memref<200xi32, #tpu.memory_space<hbm>>) dst(%arg8 : memref<200xi32, #tpu.memory_space<vmem>>)
      %dma_wait3A_40 = tpu.memref_slice %arg2[%add3A_29] : memref<320000xi32, #tpu.memory_space<hbm>> -> memref<200xi32, #tpu.memory_space<hbm>>
      %dma_wait3A_41 = tpu.memref_slice %arg2[%add3A_29] : memref<320000xi32, #tpu.memory_space<hbm>> -> memref<200xi32, #tpu.memory_space<hbm>>
      tpu.wait_dma2 semaphore(%arg13 : memref<!tpu.dma_semaphore, #tpu.memory_space<semaphore_mem>>) src(%dma_wait3A_41 : memref<200xi32, #tpu.memory_space<hbm>>) dst(%arg9 : memref<200xi32, #tpu.memory_space<vmem>>)
      %dma_wait3A_42 = tpu.memref_slice %arg3[%add3A_29] : memref<320000xi32, #tpu.memory_space<hbm>> -> memref<200xi32, #tpu.memory_space<hbm>>
      %dma_wait3A_43 = tpu.memref_slice %arg3[%add3A_29] : memref<320000xi32, #tpu.memory_space<hbm>> -> memref<200xi32, #tpu.memory_space<hbm>>
      tpu.wait_dma2 semaphore(%arg13 : memref<!tpu.dma_semaphore, #tpu.memory_space<semaphore_mem>>) src(%dma_wait3A_43 : memref<200xi32, #tpu.memory_space<hbm>>) dst(%arg10 : memref<200xi32, #tpu.memory_space<vmem>>)
      %dma_start3A_44 = arith.constant 0 : i32
      %dma_start3A_45 = arith.constant 0 : i32
      %dma_start3A_46 = tpu.memref_slice %arg4[%dma_start3A_44, %dma_start3A_45] : memref<10000x96xf32, #tpu.memory_space<hbm>> -> memref<10000x96xf32, #tpu.memory_space<hbm>>
      tpu.enqueue_indirect_dma source(%dma_start3A_46 : memref<10000x96xf32, #tpu.memory_space<hbm>>) target(%arg11 : memref<200x96xf32, #tpu.memory_space<vmem>>) offsets(%arg7 : memref<200xi32, #tpu.memory_space<vmem>>) semaphore(%arg14 : memref<!tpu.dma_semaphore, #tpu.memory_space<semaphore_mem>>)
      %dma_start3A_47 = arith.constant 0 : i32
      %dma_start3A_48 = arith.constant 0 : i32
      %dma_start3A_49 = tpu.memref_slice %arg4[%dma_start3A_47, %dma_start3A_48] : memref<10000x96xf32, #tpu.memory_space<hbm>> -> memref<10000x96xf32, #tpu.memory_space<hbm>>
      tpu.enqueue_indirect_dma source(%dma_start3A_49 : memref<10000x96xf32, #tpu.memory_space<hbm>>) target(%arg12 : memref<200x96xf32, #tpu.memory_space<vmem>>) offsets(%arg9 : memref<200xi32, #tpu.memory_space<vmem>>) semaphore(%arg14 : memref<!tpu.dma_semaphore, #tpu.memory_space<semaphore_mem>>)
      %dma_wait3A_50 = arith.constant 0 : i32
      %dma_wait3A_51 = arith.constant 0 : i32
      %dma_wait3A_52 = tpu.memref_slice %arg4[%dma_wait3A_50, %dma_wait3A_51] : memref<10000x96xf32, #tpu.memory_space<hbm>> -> memref<10000x96xf32, #tpu.memory_space<hbm>>
      tpu.wait_indirect_dma semaphore(%arg14 : memref<!tpu.dma_semaphore, #tpu.memory_space<semaphore_mem>>) src(%dma_wait3A_52 : memref<10000x96xf32, #tpu.memory_space<hbm>>) dst(%arg11 : memref<200x96xf32, #tpu.memory_space<vmem>>)
      "tpu.region"() ({
        %run_scoped3A = tpu.sem_alloc : memref<!tpu.dma_semaphore, #tpu.memory_space<semaphore_mem>>
        %dma_start3A_57 = arith.constant 0 : i32
        %dma_start3A_58 = arith.constant 0 : i32
        %dma_start3A_59 = tpu.memref_slice %arg6[%dma_start3A_57, %dma_start3A_58] : memref<10000x96xf32, #tpu.memory_space<vmem_shared>> -> memref<10000x96xf32, #tpu.memory_space<vmem_shared>>
        tpu.enqueue_indirect_dma source(%arg11 : memref<200x96xf32, #tpu.memory_space<vmem>>) target(%dma_start3A_59 : memref<10000x96xf32, #tpu.memory_space<vmem_shared>>) offsets(%arg8 : memref<200xi32, #tpu.memory_space<vmem>>) semaphore(%run_scoped3A : memref<!tpu.dma_semaphore, #tpu.memory_space<semaphore_mem>>) {add = true}
        %dma_wait3A_60 = arith.constant 0 : i32
        %dma_wait3A_61 = arith.constant 0 : i32
        %dma_wait3A_62 = tpu.memref_slice %arg6[%dma_wait3A_60, %dma_wait3A_61] : memref<10000x96xf32, #tpu.memory_space<vmem_shared>> -> memref<10000x96xf32, #tpu.memory_space<vmem_shared>>
        tpu.wait_indirect_dma semaphore(%run_scoped3A : memref<!tpu.dma_semaphore, #tpu.memory_space<semaphore_mem>>) src(%arg11 : memref<200x96xf32, #tpu.memory_space<vmem>>) dst(%dma_wait3A_62 : memref<10000x96xf32, #tpu.memory_space<vmem_shared>>)
        tpu.yield
      }) : () -> ()
      %dma_wait3A_53 = arith.constant 0 : i32
      %dma_wait3A_54 = arith.constant 0 : i32
      %dma_wait3A_55 = tpu.memref_slice %arg4[%dma_wait3A_53, %dma_wait3A_54] : memref<10000x96xf32, #tpu.memory_space<hbm>> -> memref<10000x96xf32, #tpu.memory_space<hbm>>
      tpu.wait_indirect_dma semaphore(%arg14 : memref<!tpu.dma_semaphore, #tpu.memory_space<semaphore_mem>>) src(%dma_wait3A_55 : memref<10000x96xf32, #tpu.memory_space<hbm>>) dst(%arg12 : memref<200x96xf32, #tpu.memory_space<vmem>>)
      "tpu.region"() ({
        %run_scoped3A = tpu.sem_alloc : memref<!tpu.dma_semaphore, #tpu.memory_space<semaphore_mem>>
        %dma_start3A_57 = arith.constant 0 : i32
        %dma_start3A_58 = arith.constant 0 : i32
        %dma_start3A_59 = tpu.memref_slice %arg6[%dma_start3A_57, %dma_start3A_58] : memref<10000x96xf32, #tpu.memory_space<vmem_shared>> -> memref<10000x96xf32, #tpu.memory_space<vmem_shared>>
        tpu.enqueue_indirect_dma source(%arg12 : memref<200x96xf32, #tpu.memory_space<vmem>>) target(%dma_start3A_59 : memref<10000x96xf32, #tpu.memory_space<vmem_shared>>) offsets(%arg10 : memref<200xi32, #tpu.memory_space<vmem>>) semaphore(%run_scoped3A : memref<!tpu.dma_semaphore, #tpu.memory_space<semaphore_mem>>) {add = true}
        %dma_wait3A_60 = arith.constant 0 : i32
        %dma_wait3A_61 = arith.constant 0 : i32
        %dma_wait3A_62 = tpu.memref_slice %arg6[%dma_wait3A_60, %dma_wait3A_61] : memref<10000x96xf32, #tpu.memory_space<vmem_shared>> -> memref<10000x96xf32, #tpu.memory_space<vmem_shared>>
        tpu.wait_indirect_dma semaphore(%run_scoped3A : memref<!tpu.dma_semaphore, #tpu.memory_space<semaphore_mem>>) src(%arg12 : memref<200x96xf32, #tpu.memory_space<vmem>>) dst(%dma_wait3A_62 : memref<10000x96xf32, #tpu.memory_space<vmem_shared>>)
        tpu.yield
      }) : () -> ()
      %scan3A_56 = arith.constant 0 : i32
      scf.yield %scan3A_56 : i32
    }
    %scan3A_10 = arith.constant 25 : i32
    %barrier3A_11 = arith.constant 0 : index
    tpu.barrier barrier_id(%barrier3A_11)
    %mul3A_12 = arith.constant 625 : i32
    %mul3A_13 = arith.muli %arg1, %mul3A_12 : i32
    %mul3A_14 = arith.constant 10000 : i32
    %mul3A_15 = arith.muli %arg0, %mul3A_14 : i32
    %mul3A_16 = arith.constant 625 : i32
    %mul3A_17 = arith.muli %arg1, %mul3A_16 : i32
    %add3A_18 = arith.addi %mul3A_15, %mul3A_17 : i32
    "tpu.region"() ({
      %run_scoped3A = tpu.sem_alloc : memref<!tpu.dma_semaphore, #tpu.memory_space<semaphore_mem>>
      %dma_start3A = arith.constant 0 : i32
      %dma_start3A_19 = tpu.memref_slice %arg5[%add3A_18, %dma_start3A] : memref<20000x96xf32, #tpu.memory_space<hbm>> -> memref<625x96xf32, #tpu.memory_space<hbm>>
      %dma_start3A_20 = arith.constant 0 : i32
      %dma_start3A_21 = tpu.memref_slice %arg6[%mul3A_13, %dma_start3A_20] : memref<10000x96xf32, #tpu.memory_space<vmem_shared>> -> memref<625x96xf32, #tpu.memory_space<vmem_shared>>
      tpu.enqueue_dma source(%dma_start3A_21 : memref<625x96xf32, #tpu.memory_space<vmem_shared>>) target(%dma_start3A_19 : memref<625x96xf32, #tpu.memory_space<hbm>>) target_semaphore(%run_scoped3A : memref<!tpu.dma_semaphore, #tpu.memory_space<semaphore_mem>>)
      %dma_wait3A = arith.constant 0 : i32
      %dma_wait3A_22 = tpu.memref_slice %arg5[%add3A_18, %dma_wait3A] : memref<20000x96xf32, #tpu.memory_space<hbm>> -> memref<625x96xf32, #tpu.memory_space<hbm>>
      %dma_wait3A_23 = arith.constant 0 : i32
      %dma_wait3A_24 = tpu.memref_slice %arg6[%mul3A_13, %dma_wait3A_23] : memref<10000x96xf32, #tpu.memory_space<vmem_shared>> -> memref<625x96xf32, #tpu.memory_space<vmem_shared>>
      tpu.wait_dma2 semaphore(%run_scoped3A : memref<!tpu.dma_semaphore, #tpu.memory_space<semaphore_mem>>) src(%dma_wait3A_24 : memref<625x96xf32, #tpu.memory_space<vmem_shared>>) dst(%dma_wait3A_22 : memref<625x96xf32, #tpu.memory_space<hbm>>)
      tpu.yield
    }) : () -> ()
    return
  }
}

module attributes {stable_mosaic.version = 14 : i64} {
  func.func @_prep_body(%arg0: i32, %arg1: memref<1x2000x128xf32, #tpu.memory_space<vmem>>, %arg2: memref<2x2000x16xf32, #tpu.memory_space<vmem>>, %arg3: memref<2x16x128xf32, #tpu.memory_space<vmem>>, %arg4: memref<2x128xf32, #tpu.memory_space<vmem>>, %arg5: memref<128x64xf32, #tpu.memory_space<vmem>>, %arg6: memref<2000x192xf32, #tpu.memory_space<vmem>>) attributes {dimension_semantics = [#tpu.dimension_semantics<arbitrary>], iteration_bounds = array<i64: 5>, scalar_prefetch = 0 : i64, scratch_operands = 0 : i64, tpu.core_type = #tpu.core_type<tc>, window_params = [{transform_indices = @transform_0, window_bounds = array<i64: 1, 2000, 128>}, {transform_indices = @transform_1, window_bounds = array<i64: 2, 2000, 16>}, {pipeline_mode = #tpu.pipeline_mode<synchronous>, transform_indices = @transform_2, window_bounds = array<i64: 2, 16, 128>}, {pipeline_mode = #tpu.pipeline_mode<synchronous>, transform_indices = @transform_3, window_bounds = array<i64: 2, 128>}, {pipeline_mode = #tpu.pipeline_mode<synchronous>, transform_indices = @transform_4, window_bounds = array<i64: 128, 64>}, {transform_indices = @transform_5, window_bounds = array<i64: 2000, 192>}]} {
    %get3A = arith.constant 0 : index
    %get3A_0 = arith.constant 0 : index
    %get3A_1 = arith.constant 0 : index
    %get3A_2 = vector.load %arg1[%get3A, %get3A_0, %get3A_1] : memref<1x2000x128xf32, #tpu.memory_space<vmem>>, vector<1x2000x128xf32>
    %get3A_3 = vector.shape_cast %get3A_2 : vector<1x2000x128xf32> to vector<2000x128xf32>
    %get3A_4 = arith.constant 0 : index
    %get3A_5 = arith.constant 0 : index
    %get3A_6 = arith.constant 0 : index
    %get3A_7 = vector.load %arg2[%get3A_4, %get3A_5, %get3A_6] : memref<2x2000x16xf32, #tpu.memory_space<vmem>>, vector<1x2000x16xf32>
    %get3A_8 = vector.shape_cast %get3A_7 : vector<1x2000x16xf32> to vector<2000x16xf32>
    %get3A_9 = arith.constant 0 : index
    %get3A_10 = arith.constant 0 : index
    %get3A_11 = arith.constant 0 : index
    %get3A_12 = vector.load %arg3[%get3A_9, %get3A_10, %get3A_11] : memref<2x16x128xf32, #tpu.memory_space<vmem>>, vector<1x16x128xf32>
    %get3A_13 = vector.shape_cast %get3A_12 : vector<1x16x128xf32> to vector<16x128xf32>
    %dot_general3A = arith.constant dense<0.000000e+00> : vector<2000x128xf32>
    %dot_general3A_14 = tpu.matmul %get3A_8, %get3A_13, %dot_general3A {dimension_numbers = #tpu.dot_dimension_numbers<[1], [0], [0], [1], [0, 0, 1, 1], [], []>, transpose_lhs_hint = false} : vector<2000x16xf32>, vector<16x128xf32>, vector<2000x128xf32> -> vector<2000x128xf32>
    %get3A_15 = arith.constant 0 : index
    %get3A_16 = arith.constant 0 : index
    %get3A_17 = vector.load %arg4[%get3A_15, %get3A_16] : memref<2x128xf32, #tpu.memory_space<vmem>>, vector<1x128xf32>
    %get3A_18 = vector.shape_cast %get3A_17 : vector<1x128xf32> to vector<128xf32>
    %broadcast_in_dim3A = vector.shape_cast %get3A_18 : vector<128xf32> to vector<1x128xf32>
    %add3A = vector.broadcast %broadcast_in_dim3A : vector<1x128xf32> to vector<2000x128xf32>
    %add3A_19 = arith.addf %dot_general3A_14, %add3A : vector<2000x128xf32>
    %get3A_20 = arith.constant 1 : index
    %get3A_21 = arith.constant 0 : index
    %get3A_22 = arith.constant 0 : index
    %get3A_23 = vector.load %arg2[%get3A_20, %get3A_21, %get3A_22] : memref<2x2000x16xf32, #tpu.memory_space<vmem>>, vector<1x2000x16xf32>
    %get3A_24 = vector.shape_cast %get3A_23 : vector<1x2000x16xf32> to vector<2000x16xf32>
    %get3A_25 = arith.constant 1 : index
    %get3A_26 = arith.constant 0 : index
    %get3A_27 = arith.constant 0 : index
    %get3A_28 = vector.load %arg3[%get3A_25, %get3A_26, %get3A_27] : memref<2x16x128xf32, #tpu.memory_space<vmem>>, vector<1x16x128xf32>
    %get3A_29 = vector.shape_cast %get3A_28 : vector<1x16x128xf32> to vector<16x128xf32>
    %dot_general3A_30 = arith.constant dense<0.000000e+00> : vector<2000x128xf32>
    %dot_general3A_31 = tpu.matmul %get3A_24, %get3A_29, %dot_general3A_30 {dimension_numbers = #tpu.dot_dimension_numbers<[1], [0], [0], [1], [0, 0, 1, 1], [], []>, transpose_lhs_hint = false} : vector<2000x16xf32>, vector<16x128xf32>, vector<2000x128xf32> -> vector<2000x128xf32>
    %get3A_32 = arith.constant 1 : index
    %get3A_33 = arith.constant 0 : index
    %get3A_34 = vector.load %arg4[%get3A_32, %get3A_33] : memref<2x128xf32, #tpu.memory_space<vmem>>, vector<1x128xf32>
    %get3A_35 = vector.shape_cast %get3A_34 : vector<1x128xf32> to vector<128xf32>
    %broadcast_in_dim3A_36 = vector.shape_cast %get3A_35 : vector<128xf32> to vector<1x128xf32>
    %add3A_37 = vector.broadcast %broadcast_in_dim3A_36 : vector<1x128xf32> to vector<2000x128xf32>
    %add3A_38 = arith.addf %dot_general3A_31, %add3A_37 : vector<2000x128xf32>
    %get3A_39 = arith.constant 0 : index
    %get3A_40 = arith.constant 0 : index
    %get3A_41 = vector.load %arg5[%get3A_39, %get3A_40] : memref<128x64xf32, #tpu.memory_space<vmem>>, vector<128x64xf32>
    %dot_general3A_42 = arith.constant dense<0.000000e+00> : vector<2000x64xf32>
    %dot_general3A_43 = tpu.matmul %get3A_3, %get3A_41, %dot_general3A_42 {dimension_numbers = #tpu.dot_dimension_numbers<[1], [0], [0], [1], [0, 0, 1, 1], [], []>, transpose_lhs_hint = false} : vector<2000x128xf32>, vector<128x64xf32>, vector<2000x64xf32> -> vector<2000x64xf32>
    %dot_general3A_44 = arith.constant dense<0.000000e+00> : vector<2000x64xf32>
    %dot_general3A_45 = tpu.matmul %add3A_19, %get3A_41, %dot_general3A_44 {dimension_numbers = #tpu.dot_dimension_numbers<[1], [0], [0], [1], [0, 0, 1, 1], [], []>, transpose_lhs_hint = false} : vector<2000x128xf32>, vector<128x64xf32>, vector<2000x64xf32> -> vector<2000x64xf32>
    %dot_general3A_46 = arith.constant dense<0.000000e+00> : vector<2000x64xf32>
    %dot_general3A_47 = tpu.matmul %add3A_38, %get3A_41, %dot_general3A_46 {dimension_numbers = #tpu.dot_dimension_numbers<[1], [0], [0], [1], [0, 0, 1, 1], [], []>, transpose_lhs_hint = false} : vector<2000x128xf32>, vector<128x64xf32>, vector<2000x64xf32> -> vector<2000x64xf32>
    %concatenate3A = tpu.concatenate %dot_general3A_43, %dot_general3A_45, %dot_general3A_47 in 1 : vector<2000x64xf32>, vector<2000x64xf32>, vector<2000x64xf32> -> vector<2000x192xf32>
    %swap3A = arith.constant 0 : index
    %swap3A_48 = arith.constant 0 : index
    %swap3A_49 = vector.load %arg6[%swap3A, %swap3A_48] : memref<2000x192xf32, #tpu.memory_space<vmem>>, vector<2000x192xf32>
    tpu.vector_store %arg6[%swap3A, %swap3A_48], %concatenate3A {strides = array<i32>} : memref<2000x192xf32, #tpu.memory_space<vmem>>, vector<2000x192xf32>,
    return
  }
  func.func @transform_0(%arg0: i32) -> (i32, i32, i32) {
    %c0_i32 = arith.constant 0 : i32
    %c0_i32_0 = arith.constant 0 : i32
    %c0_i32_1 = arith.constant 0 : i32
    return %c0_i32, %arg0, %c0_i32_0 : i32, i32, i32
  }
  func.func @transform_1(%arg0: i32) -> (i32, i32, i32) {
    %c0_i32 = arith.constant 0 : i32
    %c0_i32_0 = arith.constant 0 : i32
    %c0_i32_1 = arith.constant 0 : i32
    return %c0_i32, %arg0, %c0_i32_0 : i32, i32, i32
  }
  func.func @transform_2(%arg0: i32) -> (i32, i32, i32) {
    %c0_i32 = arith.constant 0 : i32
    %c0_i32_0 = arith.constant 0 : i32
    %c0_i32_1 = arith.constant 0 : i32
    %c0_i32_2 = arith.constant 0 : i32
    return %c0_i32, %c0_i32_0, %c0_i32_1 : i32, i32, i32
  }
  func.func @transform_3(%arg0: i32) -> (i32, i32) {
    %c0_i32 = arith.constant 0 : i32
    %c0_i32_0 = arith.constant 0 : i32
    %c0_i32_1 = arith.constant 0 : i32
    return %c0_i32, %c0_i32_0 : i32, i32
  }
  func.func @transform_4(%arg0: i32) -> (i32, i32) {
    %c0_i32 = arith.constant 0 : i32
    %c0_i32_0 = arith.constant 0 : i32
    %c0_i32_1 = arith.constant 0 : i32
    return %c0_i32, %c0_i32_0 : i32, i32
  }
  func.func @transform_5(%arg0: i32) -> (i32, i32) {
    %c0_i32 = arith.constant 0 : i32
    %c0_i32_0 = arith.constant 0 : i32
    return %arg0, %c0_i32 : i32, i32
  }
}

module attributes {stable_mosaic.version = 14 : i64} {
  func.func @_mid1_body(%arg0: i32, %arg1: memref<2000x2xf32, #tpu.memory_space<vmem>>, %arg2: memref<2000x192xf32, #tpu.memory_space<vmem>>, %arg3: memref<2000x1xf32, #tpu.memory_space<vmem>>, %arg4: memref<2000x96xf32, #tpu.memory_space<vmem>>, %arg5: memref<2000x96xf32, #tpu.memory_space<vmem>>) attributes {dimension_semantics = [#tpu.dimension_semantics<arbitrary>], iteration_bounds = array<i64: 5>, scalar_prefetch = 0 : i64, scratch_operands = 0 : i64, tpu.core_type = #tpu.core_type<tc>, window_params = [{transform_indices = @transform_0, window_bounds = array<i64: 2000, 2>}, {transform_indices = @transform_1, window_bounds = array<i64: 2000, 192>}, {transform_indices = @transform_2, window_bounds = array<i64: 2000, 1>}, {transform_indices = @transform_3, window_bounds = array<i64: 2000, 96>}, {transform_indices = @transform_4, window_bounds = array<i64: 2000, 96>}]} {
    %get3A = arith.constant 0 : index
    %get3A_0 = arith.constant 0 : index
    %get3A_1 = vector.load %arg1[%get3A, %get3A_0] : memref<2000x2xf32, #tpu.memory_space<vmem>>, vector<2000x1xf32>
    %get3A_2 = vector.shape_cast %get3A_1 : vector<2000x1xf32> to vector<2000xf32>
    %get3A_3 = arith.constant 0 : index
    %get3A_4 = arith.constant 1 : index
    %get3A_5 = vector.load %arg1[%get3A_3, %get3A_4] : memref<2000x2xf32, #tpu.memory_space<vmem>>, vector<2000x1xf32>
    %get3A_6 = vector.shape_cast %get3A_5 : vector<2000x1xf32> to vector<2000xf32>
    %add3A = arith.addf %get3A_2, %get3A_6 : vector<2000xf32>
    %add3A_7 = arith.constant 1.000000e+00 : f32
    %add3A_8 = vector.broadcast %add3A_7 : f32 to vector<2000xf32>
    %add3A_9 = arith.addf %add3A, %add3A_8 : vector<2000xf32>
    %rsqrt3A = math.rsqrt %add3A_9 : vector<2000xf32>
    %broadcast_in_dim3A = vector.shape_cast %rsqrt3A : vector<2000xf32> to vector<2000x1xf32>
    %swap3A = arith.constant 0 : index
    %swap3A_10 = arith.constant 0 : index
    %swap3A_11 = vector.load %arg3[%swap3A, %swap3A_10] : memref<2000x1xf32, #tpu.memory_space<vmem>>, vector<2000x1xf32>
    tpu.vector_store %arg3[%swap3A, %swap3A_10], %broadcast_in_dim3A {strides = array<i32>} : memref<2000x1xf32, #tpu.memory_space<vmem>>, vector<2000x1xf32>,
    %get3A_12 = arith.constant 0 : index
    %get3A_13 = arith.constant 0 : index
    %get3A_14 = vector.load %arg2[%get3A_12, %get3A_13] : memref<2000x192xf32, #tpu.memory_space<vmem>>, vector<2000x192xf32>
    %broadcast_in_dim3A_15 = vector.shape_cast %rsqrt3A : vector<2000xf32> to vector<2000x1xf32>
    %mul3A = vector.broadcast %broadcast_in_dim3A_15 : vector<2000x1xf32> to vector<2000x192xf32>
    %mul3A_16 = arith.mulf %get3A_14, %mul3A : vector<2000x192xf32>
    %slice3A = vector.extract_strided_slice %mul3A_16 {offsets = [0, 0], sizes = [2000, 96], strides = [1, 1]} : vector<2000x192xf32> to vector<2000x96xf32>
    %swap3A_17 = arith.constant 0 : index
    %swap3A_18 = arith.constant 0 : index
    %swap3A_19 = vector.load %arg4[%swap3A_17, %swap3A_18] : memref<2000x96xf32, #tpu.memory_space<vmem>>, vector<2000x96xf32>
    tpu.vector_store %arg4[%swap3A_17, %swap3A_18], %slice3A {strides = array<i32>} : memref<2000x96xf32, #tpu.memory_space<vmem>>, vector<2000x96xf32>,
    %slice3A_20 = vector.extract_strided_slice %mul3A_16 {offsets = [0, 96], sizes = [2000, 96], strides = [1, 1]} : vector<2000x192xf32> to vector<2000x96xf32>
    %swap3A_21 = arith.constant 0 : index
    %swap3A_22 = arith.constant 0 : index
    %swap3A_23 = vector.load %arg5[%swap3A_21, %swap3A_22] : memref<2000x96xf32, #tpu.memory_space<vmem>>, vector<2000x96xf32>
    tpu.vector_store %arg5[%swap3A_21, %swap3A_22], %slice3A_20 {strides = array<i32>} : memref<2000x96xf32, #tpu.memory_space<vmem>>, vector<2000x96xf32>,
    return
  }
  func.func @transform_0(%arg0: i32) -> (i32, i32) {
    %c0_i32 = arith.constant 0 : i32
    %c0_i32_0 = arith.constant 0 : i32
    return %arg0, %c0_i32 : i32, i32
  }
  func.func @transform_1(%arg0: i32) -> (i32, i32) {
    %c0_i32 = arith.constant 0 : i32
    %c0_i32_0 = arith.constant 0 : i32
    return %arg0, %c0_i32 : i32, i32
  }
  func.func @transform_2(%arg0: i32) -> (i32, i32) {
    %c0_i32 = arith.constant 0 : i32
    %c0_i32_0 = arith.constant 0 : i32
    return %arg0, %c0_i32 : i32, i32
  }
  func.func @transform_3(%arg0: i32) -> (i32, i32) {
    %c0_i32 = arith.constant 0 : i32
    %c0_i32_0 = arith.constant 0 : i32
    return %arg0, %c0_i32 : i32, i32
  }
  func.func @transform_4(%arg0: i32) -> (i32, i32) {
    %c0_i32 = arith.constant 0 : i32
    %c0_i32_0 = arith.constant 0 : i32
    return %arg0, %c0_i32 : i32, i32
  }
}

module attributes {stable_mosaic.version = 14 : i64} {
  func.func @_mid2_body(%arg0: i32, %arg1: memref<2x2000x96xf32, #tpu.memory_space<vmem>>, %arg2: memref<2x2000x96xf32, #tpu.memory_space<vmem>>, %arg3: memref<2000x96xf32, #tpu.memory_space<vmem>>, %arg4: memref<2000x96xf32, #tpu.memory_space<vmem>>, %arg5: memref<2000x1xf32, #tpu.memory_space<vmem>>, %arg6: memref<64xf32, #tpu.memory_space<vmem>>, %arg7: memref<64x32xf32, #tpu.memory_space<vmem>>, %arg8: memref<2000x96xf32, #tpu.memory_space<vmem>>) attributes {dimension_semantics = [#tpu.dimension_semantics<arbitrary>], iteration_bounds = array<i64: 5>, scalar_prefetch = 0 : i64, scratch_operands = 0 : i64, tpu.core_type = #tpu.core_type<tc>, window_params = [{transform_indices = @transform_0, window_bounds = array<i64: 2, 2000, 96>}, {transform_indices = @transform_1, window_bounds = array<i64: 2, 2000, 96>}, {transform_indices = @transform_2, window_bounds = array<i64: 2000, 96>}, {transform_indices = @transform_3, window_bounds = array<i64: 2000, 96>}, {transform_indices = @transform_4, window_bounds = array<i64: 2000, 1>}, {pipeline_mode = #tpu.pipeline_mode<synchronous>, transform_indices = @transform_5, window_bounds = array<i64: 64>}, {pipeline_mode = #tpu.pipeline_mode<synchronous>, transform_indices = @transform_6, window_bounds = array<i64: 64, 32>}, {transform_indices = @transform_7, window_bounds = array<i64: 2000, 96>}]} {
    %get3A = arith.constant 0 : index
    %get3A_0 = arith.constant 0 : index
    %get3A_1 = vector.load %arg5[%get3A, %get3A_0] : memref<2000x1xf32, #tpu.memory_space<vmem>>, vector<2000x1xf32>
    %get3A_2 = arith.constant 0 : index
    %get3A_3 = vector.load %arg6[%get3A_2] : memref<64xf32, #tpu.memory_space<vmem>>, vector<64xf32>
    %concatenate3A = tpu.concatenate %get3A_3, %get3A_3, %get3A_3 in 0 : vector<64xf32>, vector<64xf32>, vector<64xf32> -> vector<192xf32>
    %get3A_4 = arith.constant 0 : index
    %get3A_5 = arith.constant 0 : index
    %get3A_6 = arith.constant 0 : index
    %get3A_7 = vector.load %arg1[%get3A_4, %get3A_5, %get3A_6] : memref<2x2000x96xf32, #tpu.memory_space<vmem>>, vector<1x2000x96xf32>
    %get3A_8 = vector.shape_cast %get3A_7 : vector<1x2000x96xf32> to vector<2000x96xf32>
    %get3A_9 = arith.constant 1 : index
    %get3A_10 = arith.constant 0 : index
    %get3A_11 = arith.constant 0 : index
    %get3A_12 = vector.load %arg1[%get3A_9, %get3A_10, %get3A_11] : memref<2x2000x96xf32, #tpu.memory_space<vmem>>, vector<1x2000x96xf32>
    %get3A_13 = vector.shape_cast %get3A_12 : vector<1x2000x96xf32> to vector<2000x96xf32>
    %add3A = arith.addf %get3A_8, %get3A_13 : vector<2000x96xf32>
    %get3A_14 = arith.constant 0 : index
    %get3A_15 = arith.constant 0 : index
    %get3A_16 = vector.load %arg3[%get3A_14, %get3A_15] : memref<2000x96xf32, #tpu.memory_space<vmem>>, vector<2000x96xf32>
    %sub3A = arith.subf %add3A, %get3A_16 : vector<2000x96xf32>
    %get3A_17 = arith.constant 0 : index
    %get3A_18 = arith.constant 0 : index
    %get3A_19 = arith.constant 0 : index
    %get3A_20 = vector.load %arg2[%get3A_17, %get3A_18, %get3A_19] : memref<2x2000x96xf32, #tpu.memory_space<vmem>>, vector<1x2000x96xf32>
    %get3A_21 = vector.shape_cast %get3A_20 : vector<1x2000x96xf32> to vector<2000x96xf32>
    %get3A_22 = arith.constant 1 : index
    %get3A_23 = arith.constant 0 : index
    %get3A_24 = arith.constant 0 : index
    %get3A_25 = vector.load %arg2[%get3A_22, %get3A_23, %get3A_24] : memref<2x2000x96xf32, #tpu.memory_space<vmem>>, vector<1x2000x96xf32>
    %get3A_26 = vector.shape_cast %get3A_25 : vector<1x2000x96xf32> to vector<2000x96xf32>
    %add3A_27 = arith.addf %get3A_21, %get3A_26 : vector<2000x96xf32>
    %get3A_28 = arith.constant 0 : index
    %get3A_29 = arith.constant 0 : index
    %get3A_30 = vector.load %arg4[%get3A_28, %get3A_29] : memref<2000x96xf32, #tpu.memory_space<vmem>>, vector<2000x96xf32>
    %sub3A_31 = arith.subf %add3A_27, %get3A_30 : vector<2000x96xf32>
    %concatenate3A_32 = tpu.concatenate %sub3A, %sub3A_31 in 1 : vector<2000x96xf32>, vector<2000x96xf32> -> vector<2000x192xf32>
    %mul3A = vector.broadcast %get3A_1 : vector<2000x1xf32> to vector<2000x192xf32>
    %mul3A_33 = arith.mulf %concatenate3A_32, %mul3A : vector<2000x192xf32>
    %broadcast_in_dim3A = vector.shape_cast %concatenate3A : vector<192xf32> to vector<1x192xf32>
    %add3A_34 = vector.broadcast %broadcast_in_dim3A : vector<1x192xf32> to vector<2000x192xf32>
    %add3A_35 = arith.addf %mul3A_33, %add3A_34 : vector<2000x192xf32>
    %max3A = arith.constant 0.000000e+00 : f32
    %max3A_36 = vector.broadcast %max3A : f32 to vector<2000x192xf32>
    %max3A_37 = arith.maximumf %add3A_35, %max3A_36 : vector<2000x192xf32>
    %get3A_38 = arith.constant 0 : index
    %get3A_39 = arith.constant 0 : index
    %get3A_40 = vector.load %arg7[%get3A_38, %get3A_39] : memref<64x32xf32, #tpu.memory_space<vmem>>, vector<64x32xf32>
    %slice3A = vector.extract_strided_slice %max3A_37 {offsets = [0, 0], sizes = [2000, 64], strides = [1, 1]} : vector<2000x192xf32> to vector<2000x64xf32>
    %dot_general3A = arith.constant dense<0.000000e+00> : vector<2000x32xf32>
    %dot_general3A_41 = tpu.matmul %slice3A, %get3A_40, %dot_general3A {dimension_numbers = #tpu.dot_dimension_numbers<[1], [0], [0], [1], [0, 0, 1, 1], [], []>, transpose_lhs_hint = false} : vector<2000x64xf32>, vector<64x32xf32>, vector<2000x32xf32> -> vector<2000x32xf32>
    %slice3A_42 = vector.extract_strided_slice %max3A_37 {offsets = [0, 64], sizes = [2000, 64], strides = [1, 1]} : vector<2000x192xf32> to vector<2000x64xf32>
    %dot_general3A_43 = arith.constant dense<0.000000e+00> : vector<2000x32xf32>
    %dot_general3A_44 = tpu.matmul %slice3A_42, %get3A_40, %dot_general3A_43 {dimension_numbers = #tpu.dot_dimension_numbers<[1], [0], [0], [1], [0, 0, 1, 1], [], []>, transpose_lhs_hint = false} : vector<2000x64xf32>, vector<64x32xf32>, vector<2000x32xf32> -> vector<2000x32xf32>
    %slice3A_45 = vector.extract_strided_slice %max3A_37 {offsets = [0, 128], sizes = [2000, 64], strides = [1, 1]} : vector<2000x192xf32> to vector<2000x64xf32>
    %dot_general3A_46 = arith.constant dense<0.000000e+00> : vector<2000x32xf32>
    %dot_general3A_47 = tpu.matmul %slice3A_45, %get3A_40, %dot_general3A_46 {dimension_numbers = #tpu.dot_dimension_numbers<[1], [0], [0], [1], [0, 0, 1, 1], [], []>, transpose_lhs_hint = false} : vector<2000x64xf32>, vector<64x32xf32>, vector<2000x32xf32> -> vector<2000x32xf32>
    %concatenate3A_48 = tpu.concatenate %dot_general3A_41, %dot_general3A_44, %dot_general3A_47 in 1 : vector<2000x32xf32>, vector<2000x32xf32>, vector<2000x32xf32> -> vector<2000x96xf32>
    %mul3A_49 = vector.broadcast %get3A_1 : vector<2000x1xf32> to vector<2000x96xf32>
    %mul3A_50 = arith.mulf %concatenate3A_48, %mul3A_49 : vector<2000x96xf32>
    %swap3A = arith.constant 0 : index
    %swap3A_51 = arith.constant 0 : index
    %swap3A_52 = vector.load %arg8[%swap3A, %swap3A_51] : memref<2000x96xf32, #tpu.memory_space<vmem>>, vector<2000x96xf32>
    tpu.vector_store %arg8[%swap3A, %swap3A_51], %mul3A_50 {strides = array<i32>} : memref<2000x96xf32, #tpu.memory_space<vmem>>, vector<2000x96xf32>,
    return
  }
  func.func @transform_0(%arg0: i32) -> (i32, i32, i32) {
    %c0_i32 = arith.constant 0 : i32
    %c0_i32_0 = arith.constant 0 : i32
    %c0_i32_1 = arith.constant 0 : i32
    return %c0_i32, %arg0, %c0_i32_0 : i32, i32, i32
  }
  func.func @transform_1(%arg0: i32) -> (i32, i32, i32) {
    %c0_i32 = arith.constant 0 : i32
    %c0_i32_0 = arith.constant 0 : i32
    %c0_i32_1 = arith.constant 0 : i32
    return %c0_i32, %arg0, %c0_i32_0 : i32, i32, i32
  }
  func.func @transform_2(%arg0: i32) -> (i32, i32) {
    %c0_i32 = arith.constant 0 : i32
    %c0_i32_0 = arith.constant 0 : i32
    return %arg0, %c0_i32 : i32, i32
  }
  func.func @transform_3(%arg0: i32) -> (i32, i32) {
    %c0_i32 = arith.constant 0 : i32
    %c0_i32_0 = arith.constant 0 : i32
    return %arg0, %c0_i32 : i32, i32
  }
  func.func @transform_4(%arg0: i32) -> (i32, i32) {
    %c0_i32 = arith.constant 0 : i32
    %c0_i32_0 = arith.constant 0 : i32
    return %arg0, %c0_i32 : i32, i32
  }
  func.func @transform_5(%arg0: i32) -> i32 {
    %c0_i32 = arith.constant 0 : i32
    %c0_i32_0 = arith.constant 0 : i32
    return %c0_i32 : i32
  }
  func.func @transform_6(%arg0: i32) -> (i32, i32) {
    %c0_i32 = arith.constant 0 : i32
    %c0_i32_0 = arith.constant 0 : i32
    %c0_i32_1 = arith.constant 0 : i32
    return %c0_i32, %c0_i32_0 : i32, i32
  }
  func.func @transform_7(%arg0: i32) -> (i32, i32) {
    %c0_i32 = arith.constant 0 : i32
    %c0_i32_0 = arith.constant 0 : i32
    return %arg0, %c0_i32 : i32, i32
  }
}

module attributes {stable_mosaic.version = 14 : i64} {
  func.func @_final_body(%arg0: memref<2x10000x96xf32, #tpu.memory_space<vmem>>, %arg1: memref<10000x96xf32, #tpu.memory_space<vmem>>, %arg2: memref<10000x1xf32, #tpu.memory_space<vmem>>, %arg3: memref<32xf32, #tpu.memory_space<vmem>>, %arg4: memref<10000xi32, #tpu.memory_space<vmem>>, %arg5: memref<32x10xf32, #tpu.memory_space<vmem>>, %arg6: memref<10xf32, #tpu.memory_space<vmem>>, %arg7: memref<3x64x10xf32, #tpu.memory_space<vmem>>) attributes {dimension_semantics = [], scalar_prefetch = 0 : i64, scratch_operands = 0 : i64, tpu.core_type = #tpu.core_type<tc>} {
    %get3A = arith.constant 0 : index
    %get3A_0 = arith.constant 0 : index
    %get3A_1 = vector.load %arg2[%get3A, %get3A_0] : memref<10000x1xf32, #tpu.memory_space<vmem>>, vector<10000x1xf32>
    %get3A_2 = arith.constant 0 : index
    %get3A_3 = vector.load %arg3[%get3A_2] : memref<32xf32, #tpu.memory_space<vmem>>, vector<32xf32>
    %concatenate3A = tpu.concatenate %get3A_3, %get3A_3, %get3A_3 in 0 : vector<32xf32>, vector<32xf32>, vector<32xf32> -> vector<96xf32>
    %get3A_4 = arith.constant 0 : index
    %get3A_5 = arith.constant 0 : index
    %get3A_6 = arith.constant 0 : index
    %get3A_7 = vector.load %arg0[%get3A_4, %get3A_5, %get3A_6] : memref<2x10000x96xf32, #tpu.memory_space<vmem>>, vector<1x10000x96xf32>
    %get3A_8 = vector.shape_cast %get3A_7 : vector<1x10000x96xf32> to vector<10000x96xf32>
    %get3A_9 = arith.constant 1 : index
    %get3A_10 = arith.constant 0 : index
    %get3A_11 = arith.constant 0 : index
    %get3A_12 = vector.load %arg0[%get3A_9, %get3A_10, %get3A_11] : memref<2x10000x96xf32, #tpu.memory_space<vmem>>, vector<1x10000x96xf32>
    %get3A_13 = vector.shape_cast %get3A_12 : vector<1x10000x96xf32> to vector<10000x96xf32>
    %add3A = arith.addf %get3A_8, %get3A_13 : vector<10000x96xf32>
    %get3A_14 = arith.constant 0 : index
    %get3A_15 = arith.constant 0 : index
    %get3A_16 = vector.load %arg1[%get3A_14, %get3A_15] : memref<10000x96xf32, #tpu.memory_space<vmem>>, vector<10000x96xf32>
    %sub3A = arith.subf %add3A, %get3A_16 : vector<10000x96xf32>
    %mul3A = vector.broadcast %get3A_1 : vector<10000x1xf32> to vector<10000x96xf32>
    %mul3A_17 = arith.mulf %sub3A, %mul3A : vector<10000x96xf32>
    %broadcast_in_dim3A = vector.shape_cast %concatenate3A : vector<96xf32> to vector<1x96xf32>
    %add3A_18 = vector.broadcast %broadcast_in_dim3A : vector<1x96xf32> to vector<10000x96xf32>
    %add3A_19 = arith.addf %mul3A_17, %add3A_18 : vector<10000x96xf32>
    %get3A_20 = arith.constant 0 : index
    %get3A_21 = vector.load %arg4[%get3A_20] : memref<10000xi32, #tpu.memory_space<vmem>>, vector<10000xi32>
    %broadcast_in_dim3A_22 = vector.shape_cast %get3A_21 : vector<10000xi32> to vector<1x10000xi32>
    %iota3A = tpu.iota {dimensions = array<i32: 0>} : vector<64x10000xi32>
    %eq3A = vector.broadcast %broadcast_in_dim3A_22 : vector<1x10000xi32> to vector<64x10000xi32>
    %eq3A_23 = arith.cmpi eq, %eq3A, %iota3A : vector<64x10000xi32>
    %convert_element_type3A = arith.extui %eq3A_23 : vector<64x10000xi1> to vector<64x10000xi32>
    %convert_element_type3A_24 = arith.sitofp %convert_element_type3A : vector<64x10000xi32> to vector<64x10000xf32>
    %dot_general3A = arith.constant dense<0.000000e+00> : vector<64x96xf32>
    %dot_general3A_25 = tpu.matmul %convert_element_type3A_24, %add3A_19, %dot_general3A {dimension_numbers = #tpu.dot_dimension_numbers<[1], [0], [0], [1], [0, 0, 1, 1], [], []>, transpose_lhs_hint = false} : vector<64x10000xf32>, vector<10000x96xf32>, vector<64x96xf32> -> vector<64x96xf32>
    %reduce_sum3A = arith.constant dense<0.000000e+00> : vector<64xf32>
    %reduce_sum3A_26 = vector.multi_reduction <add>, %convert_element_type3A_24, %reduce_sum3A [1] : vector<64x10000xf32> to vector<64xf32>
    %jit3A = arith.constant 1.000000e+00 : f32
    %max3A = vector.broadcast %jit3A : f32 to vector<64xf32>
    %max3A_27 = arith.maximumf %max3A, %reduce_sum3A_26 : vector<64xf32>
    %div3A = arith.constant 1.000000e+00 : f32
    %div3A_28 = vector.broadcast %div3A : f32 to vector<64xf32>
    %div3A_29 = arith.divf %div3A_28, %max3A_27 : vector<64xf32>
    %broadcast_in_dim3A_30 = vector.shape_cast %div3A_29 : vector<64xf32> to vector<64x1xf32>
    %mul3A_31 = vector.broadcast %broadcast_in_dim3A_30 : vector<64x1xf32> to vector<64x96xf32>
    %mul3A_32 = arith.mulf %dot_general3A_25, %mul3A_31 : vector<64x96xf32>
    %get3A_33 = arith.constant 0 : index
    %get3A_34 = arith.constant 0 : index
    %get3A_35 = vector.load %arg5[%get3A_33, %get3A_34] : memref<32x10xf32, #tpu.memory_space<vmem>>, vector<32x10xf32>
    %get3A_36 = arith.constant 0 : index
    %get3A_37 = vector.load %arg6[%get3A_36] : memref<10xf32, #tpu.memory_space<vmem>>, vector<10xf32>
    %slice3A = vector.extract_strided_slice %mul3A_32 {offsets = [0, 0], sizes = [64, 32], strides = [1, 1]} : vector<64x96xf32> to vector<64x32xf32>
    %dot_general3A_38 = arith.constant dense<0.000000e+00> : vector<64x10xf32>
    %dot_general3A_39 = tpu.matmul %slice3A, %get3A_35, %dot_general3A_38 {dimension_numbers = #tpu.dot_dimension_numbers<[1], [0], [0], [1], [0, 0, 1, 1], [], []>, transpose_lhs_hint = false} : vector<64x32xf32>, vector<32x10xf32>, vector<64x10xf32> -> vector<64x10xf32>
    %broadcast_in_dim3A_40 = vector.shape_cast %get3A_37 : vector<10xf32> to vector<1x10xf32>
    %add3A_41 = vector.broadcast %broadcast_in_dim3A_40 : vector<1x10xf32> to vector<64x10xf32>
    %add3A_42 = arith.addf %dot_general3A_39, %add3A_41 : vector<64x10xf32>
    %reduce_max3A = arith.constant dense<0xFF800000> : vector<64xf32>
    %reduce_max3A_43 = vector.multi_reduction <maximumf>, %add3A_42, %reduce_max3A [1] : vector<64x10xf32> to vector<64xf32>
    %broadcast_in_dim3A_44 = vector.shape_cast %reduce_max3A_43 : vector<64xf32> to vector<64x1xf32>
    %sub3A_45 = vector.broadcast %broadcast_in_dim3A_44 : vector<64x1xf32> to vector<64x10xf32>
    %sub3A_46 = arith.subf %add3A_42, %sub3A_45 : vector<64x10xf32>
    %exp3A = math.exp %sub3A_46 : vector<64x10xf32>
    %reduce_sum3A_47 = arith.constant dense<0.000000e+00> : vector<64xf32>
    %reduce_sum3A_48 = vector.multi_reduction <add>, %exp3A, %reduce_sum3A_47 [1] : vector<64x10xf32> to vector<64xf32>
    %broadcast_in_dim3A_49 = vector.shape_cast %reduce_sum3A_48 : vector<64xf32> to vector<64x1xf32>
    %div3A_50 = vector.broadcast %broadcast_in_dim3A_49 : vector<64x1xf32> to vector<64x10xf32>
    %div3A_51 = arith.divf %exp3A, %div3A_50 : vector<64x10xf32>
    %reduce_sum3A_52 = arith.constant dense<0.000000e+00> : vector<64xf32>
    %reduce_sum3A_53 = vector.multi_reduction <add>, %div3A_51, %reduce_sum3A_52 [1] : vector<64x10xf32> to vector<64xf32>
    %broadcast_in_dim3A_54 = vector.shape_cast %reduce_sum3A_53 : vector<64xf32> to vector<64x1xf32>
    %div3A_55 = arith.constant 1.000000e+01 : f32
    %div3A_56 = vector.broadcast %div3A_55 : f32 to vector<64x1xf32>
    %div3A_57 = arith.divf %broadcast_in_dim3A_54, %div3A_56 : vector<64x1xf32>
    %sub3A_58 = vector.broadcast %div3A_57 : vector<64x1xf32> to vector<64x10xf32>
    %sub3A_59 = arith.subf %div3A_51, %sub3A_58 : vector<64x10xf32>
    %slice3A_60 = vector.extract_strided_slice %mul3A_32 {offsets = [0, 32], sizes = [64, 32], strides = [1, 1]} : vector<64x96xf32> to vector<64x32xf32>
    %dot_general3A_61 = arith.constant dense<0.000000e+00> : vector<64x10xf32>
    %dot_general3A_62 = tpu.matmul %slice3A_60, %get3A_35, %dot_general3A_61 {dimension_numbers = #tpu.dot_dimension_numbers<[1], [0], [0], [1], [0, 0, 1, 1], [], []>, transpose_lhs_hint = false} : vector<64x32xf32>, vector<32x10xf32>, vector<64x10xf32> -> vector<64x10xf32>
    %broadcast_in_dim3A_63 = vector.shape_cast %get3A_37 : vector<10xf32> to vector<1x10xf32>
    %add3A_64 = vector.broadcast %broadcast_in_dim3A_63 : vector<1x10xf32> to vector<64x10xf32>
    %add3A_65 = arith.addf %dot_general3A_62, %add3A_64 : vector<64x10xf32>
    %reduce_max3A_66 = arith.constant dense<0xFF800000> : vector<64xf32>
    %reduce_max3A_67 = vector.multi_reduction <maximumf>, %add3A_65, %reduce_max3A_66 [1] : vector<64x10xf32> to vector<64xf32>
    %broadcast_in_dim3A_68 = vector.shape_cast %reduce_max3A_67 : vector<64xf32> to vector<64x1xf32>
    %sub3A_69 = vector.broadcast %broadcast_in_dim3A_68 : vector<64x1xf32> to vector<64x10xf32>
    %sub3A_70 = arith.subf %add3A_65, %sub3A_69 : vector<64x10xf32>
    %exp3A_71 = math.exp %sub3A_70 : vector<64x10xf32>
    %reduce_sum3A_72 = arith.constant dense<0.000000e+00> : vector<64xf32>
    %reduce_sum3A_73 = vector.multi_reduction <add>, %exp3A_71, %reduce_sum3A_72 [1] : vector<64x10xf32> to vector<64xf32>
    %broadcast_in_dim3A_74 = vector.shape_cast %reduce_sum3A_73 : vector<64xf32> to vector<64x1xf32>
    %div3A_75 = vector.broadcast %broadcast_in_dim3A_74 : vector<64x1xf32> to vector<64x10xf32>
    %div3A_76 = arith.divf %exp3A_71, %div3A_75 : vector<64x10xf32>
    %reduce_sum3A_77 = arith.constant dense<0.000000e+00> : vector<64xf32>
    %reduce_sum3A_78 = vector.multi_reduction <add>, %div3A_76, %reduce_sum3A_77 [1] : vector<64x10xf32> to vector<64xf32>
    %broadcast_in_dim3A_79 = vector.shape_cast %reduce_sum3A_78 : vector<64xf32> to vector<64x1xf32>
    %div3A_80 = arith.constant 1.000000e+01 : f32
    %div3A_81 = vector.broadcast %div3A_80 : f32 to vector<64x1xf32>
    %div3A_82 = arith.divf %broadcast_in_dim3A_79, %div3A_81 : vector<64x1xf32>
    %sub3A_83 = vector.broadcast %div3A_82 : vector<64x1xf32> to vector<64x10xf32>
    %sub3A_84 = arith.subf %div3A_76, %sub3A_83 : vector<64x10xf32>
    %slice3A_85 = vector.extract_strided_slice %mul3A_32 {offsets = [0, 64], sizes = [64, 32], strides = [1, 1]} : vector<64x96xf32> to vector<64x32xf32>
    %dot_general3A_86 = arith.constant dense<0.000000e+00> : vector<64x10xf32>
    %dot_general3A_87 = tpu.matmul %slice3A_85, %get3A_35, %dot_general3A_86 {dimension_numbers = #tpu.dot_dimension_numbers<[1], [0], [0], [1], [0, 0, 1, 1], [], []>, transpose_lhs_hint = false} : vector<64x32xf32>, vector<32x10xf32>, vector<64x10xf32> -> vector<64x10xf32>
    %broadcast_in_dim3A_88 = vector.shape_cast %get3A_37 : vector<10xf32> to vector<1x10xf32>
    %add3A_89 = vector.broadcast %broadcast_in_dim3A_88 : vector<1x10xf32> to vector<64x10xf32>
    %add3A_90 = arith.addf %dot_general3A_87, %add3A_89 : vector<64x10xf32>
    %reduce_max3A_91 = arith.constant dense<0xFF800000> : vector<64xf32>
    %reduce_max3A_92 = vector.multi_reduction <maximumf>, %add3A_90, %reduce_max3A_91 [1] : vector<64x10xf32> to vector<64xf32>
    %broadcast_in_dim3A_93 = vector.shape_cast %reduce_max3A_92 : vector<64xf32> to vector<64x1xf32>
    %sub3A_94 = vector.broadcast %broadcast_in_dim3A_93 : vector<64x1xf32> to vector<64x10xf32>
    %sub3A_95 = arith.subf %add3A_90, %sub3A_94 : vector<64x10xf32>
    %exp3A_96 = math.exp %sub3A_95 : vector<64x10xf32>
    %reduce_sum3A_97 = arith.constant dense<0.000000e+00> : vector<64xf32>
    %reduce_sum3A_98 = vector.multi_reduction <add>, %exp3A_96, %reduce_sum3A_97 [1] : vector<64x10xf32> to vector<64xf32>
    %broadcast_in_dim3A_99 = vector.shape_cast %reduce_sum3A_98 : vector<64xf32> to vector<64x1xf32>
    %div3A_100 = vector.broadcast %broadcast_in_dim3A_99 : vector<64x1xf32> to vector<64x10xf32>
    %div3A_101 = arith.divf %exp3A_96, %div3A_100 : vector<64x10xf32>
    %reduce_sum3A_102 = arith.constant dense<0.000000e+00> : vector<64xf32>
    %reduce_sum3A_103 = vector.multi_reduction <add>, %div3A_101, %reduce_sum3A_102 [1] : vector<64x10xf32> to vector<64xf32>
    %broadcast_in_dim3A_104 = vector.shape_cast %reduce_sum3A_103 : vector<64xf32> to vector<64x1xf32>
    %div3A_105 = arith.constant 1.000000e+01 : f32
    %div3A_106 = vector.broadcast %div3A_105 : f32 to vector<64x1xf32>
    %div3A_107 = arith.divf %broadcast_in_dim3A_104, %div3A_106 : vector<64x1xf32>
    %sub3A_108 = vector.broadcast %div3A_107 : vector<64x1xf32> to vector<64x10xf32>
    %sub3A_109 = arith.subf %div3A_101, %sub3A_108 : vector<64x10xf32>
    %stack3A = vector.shape_cast %sub3A_59 : vector<64x10xf32> to vector<1x64x10xf32>
    %stack3A_110 = vector.shape_cast %sub3A_84 : vector<64x10xf32> to vector<1x64x10xf32>
    %stack3A_111 = vector.shape_cast %sub3A_109 : vector<64x10xf32> to vector<1x64x10xf32>
    %stack3A_112 = tpu.concatenate %stack3A, %stack3A_110, %stack3A_111 in 0 : vector<1x64x10xf32>, vector<1x64x10xf32>, vector<1x64x10xf32> -> vector<3x64x10xf32>
    %swap3A = arith.constant 0 : index
    %swap3A_113 = arith.constant 0 : index
    %swap3A_114 = arith.constant 0 : index
    %swap3A_115 = vector.load %arg7[%swap3A, %swap3A_113, %swap3A_114] : memref<3x64x10xf32, #tpu.memory_space<vmem>>, vector<3x64x10xf32>
    tpu.vector_store %arg7[%swap3A, %swap3A_113, %swap3A_114], %stack3A_112 {strides = array<i32>} : memref<3x64x10xf32, #tpu.memory_space<vmem>>, vector<3x64x10xf32>,
    return
  }
}

</mosaic_0001>

<sc_bundles>
// kernel: kernel.10.cloned.1.call-start
scs
__scs_entry_jumppad:
0x0: {  	(pc) =	sbr.rel $0x88, $3  }
0x1: {  	(tag) =	ssettag $0x0;
	lr =	simm.s32 $0x1  }
0x2: {  	[smem:$0x3F95] =	sst lr;
	_ =	strace $0xD0000000  }
0x3: {  	_ = 	snop  }
0x4: {  	_ = 	snop  }
0x5: {  	_ = 	snop  }
0x6: {  	_ = 	snop  }
0x7: {  	_ = 	snop  }
__scs_overlays_trampoline_lowered:
0x8: {  	[smem:$0x3FA4] =	sst s0  }
0x9: {  	[smem:$0x3FA5] =	sst s1  }
0xa: {  	[smem:$0x3FA6] =	sst s2  }
0xb: {  	[smem:$0x3FA7] =	sst s3  }
0xc: {  	[smem:$0x3FA8] =	sst s4  }
0xd: {  	[smem:$0x3FA9] =	sst s5  }
0xe: {  	[smem:$0x3FAA] =	sst s6  }
0xf: {  	[smem:$0x3FAB] =	sst s7  }
0x10: {  	[smem:$0x3FAC] =	sst s8  }
0x11: {  	[smem:$0x3FAD] =	sst s9;
	s0 =	simm.s32 @!p0 $0x0  }
0x12: {  	s1 =	sld [smem:$0x3F93];
	s0 =	simm.s32 @p0 $0x1  }
0x13: {  	[smem:$0x3FAE] =	sst s0;
	s0 =	simm.s32 @!p1 $0x0  }
0x14: {  	s2 =	sld [smem:$0x3F92];
	s0 =	simm.s32 @p1 $0x1  }
0x15: {  	[smem:$0x3FAF] =	sst s0;
	s0 =	simm.s32 @!p2 $0x0  }
0x16: {  	s3 =	sld [smem:$0x3FDB];
	s0 =	simm.s32 @p2 $0x1  }
0x17: {  	s4 =	simm.s32 $0x1BF5;
	[smem:$0x3FB1] =	sst s0  }
0x18: {  	s0 =	sld [smem:$0x3F94];
	_ =	swait.ge [sflag:s4], $0x0  }
0x19: {  	s7 =	sld [smem:$0x3F95]  }
0x1a: {  	s8 =	sadd.s32 $0xFFFFE003, lr  }
0x1b: {  	s9 =	sadd.s32 $0xFFFFFEF7, lr;
	s5 =	simm.s32 $0xFFFFFFFF;
	p2 =	slt.u32 s8, $0xFFFFF086  }
0x1c: {  	p1 =	slt.u32 s9, $0xF7A;
	s5 =	simm.s32 @!p2 $0x0  }
0x1d: {  	s5 =	simm.s32 @p1 $0x1;
	p0 =	seq.s32 s7, s2  }
0x1e: {  	s7 =	smul.u32 @!p0 $0xF7A, s2;
	p2 =	seq.s32 @!p0 s5, $0x0  }
0x1f: {  	s9 =	smul.u32 $0xF7A, s1;
	s8 =	simm.s32 @!p0 $0x1BF5;
	p2 =	por !p2, p0  }
0x20: {  	[sflag:s8] =	ssyncset.s32 @!p0 $0xFFFFF086;
	s6 =	sadd.s32 @!p0 s3, s7;
	s7 =	simm.s32 @!p0 $0x108  }
0x21: {  	s3 =	sadd.s32 s3, s9;
	s6 =	sadd.s32 @!p0 $0x88, s6;
	s7 =	simm.s32 @p2 $0x1082  }
0x22: {  	[simem:s7], [sflag:s8] =	dma.local @!p0 [hbm:s6], $0xF7A  }
0x23: {  	s9 =	sor.u32 $0xD0000000, s2;
	s6 =	simm.s32 $0x108;
	_ =	swait.ge @!p0 [sflag:s8], $0x0  }
0x24: {  	s3 =	sadd.s32 $0x88, s3;
	s6 =	simm.s32 @!p1 $0x1082;
	[sflag:s4] =	ssyncset.s32 $0xFFFFF086  }
0x25: {  	[simem:s6], [sflag:s4] =	dma.local [hbm:s3], $0xF7A  }
0x26: {  	[smem:$0x3F95] =	sst s1;
	(tag) =	ssettag s2;
	_ =	strace s9  }
0x27: {  	s1 =	sld [smem:$0x3FA5]  }
0x28: {  	s2 =	sld [smem:$0x3FA6]  }
0x29: {  	s4 =	sld [smem:$0x3FA8]  }
0x2a: {  	p0 =	seq.s32 s5, $0x0;
	s5 =	sld [smem:$0x3FA9]  }
0x2b: {  	s6 =	sld [smem:$0x3FAA]  }
0x2c: {  	s7 =	sld [smem:$0x3FAB]  }
0x2d: {  	s3 =	simm.s32 $0x108;
	s8 =	sld [smem:$0x3FAC]  }
0x2e: {  	s3 =	simm.s32 @!p0 $0x1082;
	s9 =	sld [smem:$0x3FAD]  }
0x2f: {  	lr =	sadd.s32 s0, s3;
	s0 =	sld [smem:$0x3FA4]  }
0x30: {  	s3 =	sld [smem:$0x3FA7]  }
0x31: {  	[smem:$0x3FB0] =	sst s10  }
0x32: {  	s10 =	sld [smem:$0x3FAE];
	_ =	sdelay $0x3  }
0x33: {  	p0 =	seq.s32 s10, $0x1;
	s10 =	sld [smem:$0x3FB0];
	_ =	sdelay $0x3  }
0x34: {  	[smem:$0x3FB0] =	sst s10  }
0x35: {  	s10 =	sld [smem:$0x3FAF];
	_ =	sdelay $0x3  }
0x36: {  	p1 =	seq.s32 s10, $0x1;
	s10 =	sld [smem:$0x3FB0];
	_ =	sdelay $0x3  }
0x37: {  	[smem:$0x3FB0] =	sst s10  }
0x38: {  	s10 =	sld [smem:$0x3FB1]  }
0x39: {  	_ = 	snop;
	(pc) =	sbr.ind lr, $3  }
0x3a: {  	_ = 	snop  }
0x3b: {  	_ = 	snop  }
0x3c: {  	p2 =	seq.s32 s10, $0x1;
	s10 =	sld [smem:$0x3FB0]  }
0x3d: {  	_ =	shalt  }
0x3e: {  	_ =	shalt  }
0x3f: {  	_ =	shalt  }
0x40: {  	_ =	shalt  }
0x41: {  	_ =	shalt  }
0x42: {  	_ =	shalt  }
0x43: {  	_ =	shalt  }
0x44: {  	_ =	shalt  }
0x45: {  	_ =	shalt  }
0x46: {  	_ =	shalt  }
0x47: {  	_ =	shalt  }
0x48: {  	_ =	shalt  }
0x49: {  	_ =	shalt  }
0x4a: {  	_ =	shalt  }
0x4b: {  	_ =	shalt  }
0x4c: {  	_ =	shalt  }
0x4d: {  	_ =	shalt  }
0x4e: {  	_ =	shalt  }
0x4f: {  	_ =	shalt  }
0x50: {  	_ =	shalt  }
0x51: {  	_ =	shalt  }
0x52: {  	_ =	shalt  }
0x53: {  	_ =	shalt  }
0x54: {  	_ =	shalt  }
0x55: {  	_ =	shalt  }
0x56: {  	_ =	shalt  }
0x57: {  	_ =	shalt  }
0x58: {  	_ =	shalt  }
0x59: {  	_ =	shalt  }
0x5a: {  	_ =	shalt  }
0x5b: {  	_ =	shalt  }
0x5c: {  	_ =	shalt  }
0x5d: {  	_ =	shalt  }
0x5e: {  	_ =	shalt  }
0x5f: {  	_ =	shalt  }
0x60: {  	_ =	shalt  }
0x61: {  	_ =	shalt  }
0x62: {  	_ =	shalt  }
0x63: {  	_ =	shalt  }
0x64: {  	_ =	shalt  }
0x65: {  	_ =	shalt  }
0x66: {  	_ =	shalt  }
0x67: {  	_ =	shalt  }
0x68: {  	_ =	shalt  }
0x69: {  	_ =	shalt  }
0x6a: {  	_ =	shalt  }
0x6b: {  	_ =	shalt  }
0x6c: {  	_ =	shalt  }
0x6d: {  	_ =	shalt  }
0x6e: {  	_ =	shalt  }
0x6f: {  	_ =	shalt  }
0x70: {  	_ =	shalt  }
0x71: {  	_ =	shalt  }
0x72: {  	_ =	shalt  }
0x73: {  	_ =	shalt  }
0x74: {  	_ =	shalt  }
0x75: {  	_ =	shalt  }
0x76: {  	_ =	shalt  }
0x77: {  	_ =	shalt  }
0x78: {  	_ =	shalt  }
0x79: {  	_ =	shalt  }
0x7a: {  	_ =	shalt  }
0x7b: {  	_ =	shalt  }
0x7c: {  	_ =	shalt  }
0x7d: {  	_ =	shalt  }
0x7e: {  	_ =	shalt  }
0x7f: {  	_ =	shalt  }
0x80: {  	_ =	shalt  }
0x81: {  	_ =	shalt  }
0x82: {  	_ =	shalt  }
0x83: {  	_ =	shalt  }
0x84: {  	_ =	shalt  }
0x85: {  	_ =	shalt  }
0x86: {  	_ =	shalt  }
0x87: {  	_ =	shalt  }
.Lfunc_end0:
.L_simem_size_0:
called_computation_lowered:
.L_overlay_start_0:
0x88: {  	s2 =	sld [smem:$0x3FD9]  }
0x89: {  	s3 =	sld [smem:$0x3FFE];
	_ =	sdelay $0x1  }
0x8a: {  	s1 =	srdreg.scid  }
0x8b: {  	s0 =	sand.u32 $0x1, s1  }
0x8c: {  	s16 =	sshll.u32 s0, $0xA;
	s2 =	sadd.s32 s3, s2  }
0x8d: {  	s2 =	sadd.s32 s2, s16  }
0x8e: {  	[smem:$0x3FBC] =	sst s2  }
0x8f: {  	_ = 	snop  }
0x90: {  	(tm) =	ssettm $0x1  }
0x91: {  	s17 =	sld [smem:$0x3FFB];
	_ =	sdelay $0x3  }
0x92: {  	_ =	strace s17  }
0x93: {  	s2 =	sld [smem:$0x3FFC];
	_ =	sdelay $0x3  }
0x94: {  	_ =	strace s2  }
0x95: {  	s2 =	sld [smem:$0x3FFD];
	_ =	sdelay $0x3  }
0x96: {  	_ =	strace s2  }
0x97: {  	_ =	strace $0x8FFFFFFF  }
0x98: {  	s18 =	sld [smem:$0x3FDB];
	_ =	sdelay $0x1  }
0x99: {  	s19 =	simm.s32 $_scs_section_size  }
0x9a: {  	s4 =	simm.s32 $_size__tile_overlayer_lowered;
	s5 =	simm.s32 $_tile_overlayer_lowered  }
0x9b: {  	s22 =	simm.s32 $0x1BFF;
	s21 =	sshll.u32 s5, $0x1;
	s2 =	sadd.s32 s19, s18  }
0x9c: {  	s6 =	simm.s32 $0x0;
	s20 =	sshll.u32 s4, $0x1;
	s4 =	sadd.s32 s21, s2  }
0x9d: {  	[timem:s6], [sflag:s22] =	dma.local [hbm:s4], s20  }
0x9e: {  	_ =	swait.ge [sflag:s22], s20  }
0x9f: {  	s3 =	ssub.s32 $0x0, s20;
	[sflag:s22] =	ssyncset.done $0x0  }
0xa0: {  	[sflag:s22] =	ssyncadd.s32 s3;
	_ =	sdelay $0x1  }
0xa1: {  	s23 =	simm.s32 $0x1B8B  }
0xa2: {  	_ =	swait.ge [sflag:s23], $0x1  }
0xa3: {  	[sflag:s23] =	ssyncset.done $0x0  }
0xa4: {  	s25 =	simm.s32 $0x1B8E;
	s24 =	sld [smem:$0x3FFE];
	[sflag:s23] =	ssyncadd.s32 $0xFFFFFFFF  }
0xa5: {  	s26 =	simm.s32 $execute0_lowered;
	[smem:$0x3FD2] =	sst s25  }
0xa6: {  	s4 =	sshll.u32 s26, $0x1;
	_ =	strace $0x80000046;
	[dreg:$0x1] =	wrdreg $0xFFFFFFFF  }
0xa7: {  	s28 =	simm.s32 $_size_execute0_lowered;
	s2 =	sadd.s32 s2, s4;
	[dreg:$0x0] =	wrdreg $0x0  }
0xa8: {  	s4 =	sshll.u32 s28, $0x1;
	[dreg:$0x2] =	wrdreg s2  }
0xa9: {  	[dreg:$0x3] =	wrdreg s4  }
0xaa: {  	[dreg:$0x4] =	wrdreg $0xC0  }
0xab: {  	_ =	task [dreg:s6], $0x5FFFF  }
0xac: {  	[dreg:$0x1] =	wrdreg $0xFFFFFFFF  }
0xad: {  	[dreg:$0x0] =	wrdreg $0x60  }
0xae: {  	[dreg:$0x2] =	wrdreg s24  }
0xaf: {  	[dreg:$0x3] =	wrdreg $0x0  }
0xb0: {  	[dreg:$0x4] =	wrdreg $0x9  }
0xb1: {  	_ =	task.clear_ibuf [dreg:s6], $0x5FFFF;
	_ =	strace $0x90000046  }
0xb2: {  	s29 =	simm.s32 $0x9;
	_ =	strace $0x80000048  }
0xb3: {  	_ =	swait.ge [sflag:s29], $0x1  }
0xb4: {  	[sflag:s29] =	ssyncadd.s32 $0xFFFFFFFF  }
0xb5: {  	_ =	strace $0x90000048  }
0xb6: {  	_ =	sfence  }
0xb7: {  	s30 =	sld [smem:$0x0];
	_ =	sdelay $0x2  }
0xb8: {  	s31 =	sshll.u32 s1, $0xD;
	s1 =	sshrl.u32 s1, $0x2  }
0xb9: {  	s3 =	sand.u32 $0x4000, s31;
	s1 =	sadd.s32 s1, s30  }
0xba: {  	s0 =	sor.u32 s3, s0;
	s1 =	sshll.u32 s1, $0x11  }
0xbb: {  	s0 =	sor.u32 s1, s0  }
0xbc: {  	s0 =	sadd.s32 $0x8F2B, s0  }
0xbd: {  	[sflag:s0] =	ssyncadd.remote.s32 $0x1  }
0xbe: {  	_ =	sfence.sel $0xFFFF  }
0xbf: {  	[dreg:$0x0] =	wrdreg $0xFFFFFFFF;
	(pc) =	sbr.abs _section_cstart, $3  }
0xc0: {  	[dreg:$0x1] =	wrdreg $0xFFFFFFFF  }
0xc1: {  	_ =	task.clear_ibuf [dreg:s6], $0x2FFFF;
	_ =	strace $0x9FFFFFFF  }
0xc2: {  	(tm) =	ssettm $0x7FFFFFFF  }
0xc3: {  	_ =	shalt  }
tec
execute0_lowered:
.L_overlay_start_1:
0x0: {  	(tag) =	ssettag $0x1  }
0x1: {  	s4 =	rddreg [dreg:$0x0]  }
0x2: {  	s0 =	srdreg.scid;
	s2 =	rddreg [dreg:$0x1]  }
0x3: {  	s1 =	rddreg [dreg:$0x2];
	s5 =	sand.u32 $0x1, s0  }
0x4: {  	s3 =	simm.s32 $0x0;
	s0 =	stileid.u32;
	s6 =	smul.u32 $0x27100, s5  }
0x5: {  	s10 =	simm.s32 $0x280;
	s11 =	simm.s32 $0x190;
	s7 =	smul.u32 $0x2710, s0  }
0x6: {  	s12 =	simm.s32 $0x410;
	s15 =	simm.s32 $0x0;
	s8 =	smul.u32 $0x280, s0  }
0x7: {  	[smem:$0x7FF] =	sst s3;
	s9 =	smul.u32 $0x2800, s5;
	s5 =	ssub.s32 $0x2, s5  }
0x8: {  	_ =	strace $0x80000047;
	s13 =	sshll.u32 s0, $0x6;
	s31 =	sshrl.u32 s5, $0x1  }
0x9: {  	s13 =	sor.u32 $0x1C01, s13;
	s6 =	sadd.s32 s7, s6;
	s28 =	sadd.s32 s8, s9  }
0xa: {  	s7 =	ssub.s32 s5, s31;
	s6 =	sshrl.u32 s6, $0x3;
	s30 =	sshrl.u32 s28, $0x3  }
0xb: {  	s9 =	simm.s32 $0x1;
	s29 =	sadd.s32 s6, s4;
	s6 =	sadd.s32 s30, s4  }
0xc: {  	s4 =	sadd.s32 s8, s2;
	s8 =	simm.s32 $0x5A0;
	s5 =	sadd.s32 $0x16E00, s6  }
0xd: {  	v0 =	vimm.f32 $0.0e+00;
	v1 =	vimm.f32 $1.000000000e+00;
	s6 =	smax.u32 s7, $0x1;
	s7 =	sadd.s32 $0x3200, s29;
	s14 =	sshrl.u32 s4, $0x3  }
.LBB2_1:
0xe: {  	[tilespmem:$0x5A0] =	vst v0  }
0xf: {  	[tilespmem:$0x5B0] =	vst v0  }
0x10: {  	[tilespmem:$0x5C0] =	vst v0  }
0x11: {  	[tilespmem:$0x5D0] =	vst v0  }
0x12: {  	[tilespmem:$0x5E0] =	vst v0  }
0x13: {  	[tilespmem:$0x5F0] =	vst v0  }
0x14: {  	[tilespmem:$0x600] =	vst v0  }
0x15: {  	[tilespmem:$0x610] =	vst v0  }
0x16: {  	[tilespmem:$0x620] =	vst v0  }
0x17: {  	[tilespmem:$0x630] =	vst v0  }
0x18: {  	[tilespmem:$0x640] =	vst v0  }
0x19: {  	[tilespmem:$0x650] =	vst v0  }
0x1a: {  	[tilespmem:$0x660] =	vst v0  }
0x1b: {  	[tilespmem:$0x670] =	vst v0  }
0x1c: {  	[tilespmem:$0x680] =	vst v0  }
0x1d: {  	[tilespmem:$0x690] =	vst v0  }
0x1e: {  	[tilespmem:$0x6A0] =	vst v0  }
0x1f: {  	[tilespmem:$0x6B0] =	vst v0  }
0x20: {  	[tilespmem:$0x6C0] =	vst v0  }
0x21: {  	[tilespmem:$0x6D0] =	vst v0  }
0x22: {  	[tilespmem:$0x6E0] =	vst v0  }
0x23: {  	[tilespmem:$0x6F0] =	vst v0  }
0x24: {  	[tilespmem:$0x700] =	vst v0  }
0x25: {  	[tilespmem:$0x710] =	vst v0  }
0x26: {  	[tilespmem:$0x720] =	vst v0  }
0x27: {  	[tilespmem:$0x730] =	vst v0  }
0x28: {  	[tilespmem:$0x740] =	vst v0  }
0x29: {  	[tilespmem:$0x750] =	vst v0  }
0x2a: {  	[tilespmem:$0x760] =	vst v0  }
0x2b: {  	[tilespmem:$0x770] =	vst v0  }
0x2c: {  	[tilespmem:$0x780] =	vst v0  }
0x2d: {  	[tilespmem:$0x790] =	vst v0  }
0x2e: {  	[tilespmem:$0x7A0] =	vst v0  }
0x2f: {  	[tilespmem:$0x7B0] =	vst v0  }
0x30: {  	[tilespmem:$0x7C0] =	vst v0  }
0x31: {  	[tilespmem:$0x7D0] =	vst v0  }
0x32: {  	[tilespmem:$0x7E0] =	vst v0  }
0x33: {  	[tilespmem:$0x7F0] =	vst v0  }
0x34: {  	[tilespmem:$0x800] =	vst v0  }
0x35: {  	[tilespmem:$0x810] =	vst v0  }
0x36: {  	[tilespmem:$0x410] =	vst v1  }
0x37: {  	[tilespmem:$0x420] =	vst v1  }
0x38: {  	[tilespmem:$0x430] =	vst v1  }
0x39: {  	[tilespmem:$0x440] =	vst v1  }
0x3a: {  	[tilespmem:$0x450] =	vst v1  }
0x3b: {  	[tilespmem:$0x460] =	vst v1  }
0x3c: {  	[tilespmem:$0x470] =	vst v1  }
0x3d: {  	[tilespmem:$0x480] =	vst v1  }
0x3e: {  	[tilespmem:$0x490] =	vst v1  }
0x3f: {  	[tilespmem:$0x4A0] =	vst v1  }
0x40: {  	[tilespmem:$0x4B0] =	vst v1  }
0x41: {  	[tilespmem:$0x4C0] =	vst v1  }
0x42: {  	[tilespmem:$0x4D0] =	vst v1  }
0x43: {  	[tilespmem:$0x4E0] =	vst v1  }
0x44: {  	[tilespmem:$0x4F0] =	vst v1  }
0x45: {  	[tilespmem:$0x500] =	vst v1  }
0x46: {  	[tilespmem:$0x510] =	vst v1  }
0x47: {  	[tilespmem:$0x520] =	vst v1  }
0x48: {  	[tilespmem:$0x530] =	vst v1  }
0x49: {  	[tilespmem:$0x540] =	vst v1  }
0x4a: {  	[tilespmem:$0x550] =	vst v1  }
0x4b: {  	[tilespmem:$0x560] =	vst v1  }
0x4c: {  	[tilespmem:$0x570] =	vst v1  }
0x4d: {  	[tilespmem:$0x580] =	vst v1  }
0x4e: {  	[tilespmem:$0x590] =	vst v1  }
0x4f: {  	[spmem:s4] =	stream.linear.scatter [tilespmem:s8], [sflag:$0x1], $0x280, $0x38;
	[tilespmem:$0x820] =	vst v63  }
0x50: {  	_ =	swait.ge [sflag:s9], $0x280  }
0x51: {  	[sflag:s9] =	ssyncset.done $0x0  }
0x52: {  	[sflag:s9] =	ssyncadd.s32 $0xFFFFFD80  }
0x53: {  	s16 =	sadd.s32 $0x0, s7;
	[bflag:$0x0] =	sbarrier.arrive $0xFFFF  }
0x54: {  	[tilespmem:s10], [sflag:$0x1] =	stream.linear.gather [hbm4b:s16+s3], $0x190, $0x38;
	[tilespmem:$0x820] =	vst v63  }
0x55: {  	_ =	swait.ge [sflag:s9], $0x190  }
0x56: {  	[sflag:s9] =	ssyncset.done $0x0  }
0x57: {  	[sflag:s9] =	ssyncadd.s32 $0xFFFFFE70  }
0x58: {  	[spmem:s2] =	stream.indirect.scatter.add.f32 [tilespmem:s12], [sflag:$0x1], $0x1, s10, s11, $0xb8;
	[tilespmem:$0x820] =	vst v63  }
0x59: {  	_ =	swait.ge [sflag:s9], $0x190  }
0x5a: {  	s17 =	simm.s32 $0x64;
	s16 =	simm.s32 $0x32;
	[sflag:s9] =	ssyncset.done $0x0  }
.LBB2_2:
0x5b: {  	s18 =	sadd.s32 s16, s7  }
0x5c: {  	[sflag:s9] =	ssyncadd.s32 $0xFFFFFE70;
	s16 =	smov.u32 s17;
	s19 =	sadd.s32 $0x32, s17  }
0x5d: {  	[tilespmem:s10], [sflag:$0x1] =	stream.linear.gather [hbm4b:s18+s3], $0x190, $0x38;
	[tilespmem:$0x820] =	vst v63  }
0x5e: {  	p0 =	sne.s32 s17, $0x4B0;
	_ =	swait.ge [sflag:s9], $0x190  }
.Ltmp0:
0x5f: {  	[sflag:s9] =	ssyncset.done $0x0;
	(pc) =	sbr.rel @p0 .LBB2_2-.Ltmp0, $4  }
0x60: {  	[sflag:s9] =	ssyncadd.s32 $0xFFFFFE70  }
0x61: {  	[spmem:s2] =	stream.indirect.scatter.add.f32 [tilespmem:s12], [sflag:$0x1], $0x1, s10, s11, $0xb8;
	[tilespmem:$0x820] =	vst v63  }
0x62: {  	_ =	swait.ge [sflag:s9], $0x190  }
0x63: {  	s17 =	smov.u32 s19;
	[sflag:s9] =	ssyncset.done $0x0  }
0x64: {  	s16 =	sadd.s32 s16, s7;
	[sflag:s9] =	ssyncadd.s32 $0xFFFFFE70  }
0x65: {  	[tilespmem:s10], [sflag:$0x1] =	stream.linear.gather [hbm4b:s16+s3], $0x190, $0x38;
	[tilespmem:$0x820] =	vst v63  }
0x66: {  	_ =	swait.ge [sflag:s9], $0x190  }
0x67: {  	[sflag:s9] =	ssyncset.done $0x0  }
0x68: {  	[sflag:s9] =	ssyncadd.s32 $0xFFFFFE70  }
0x69: {  	[spmem:s2] =	stream.indirect.scatter.add.f32 [tilespmem:s12], [sflag:$0x1], $0x1, s10, s11, $0xb8;
	[tilespmem:$0x820] =	vst v63  }
0x6a: {  	_ =	swait.ge [sflag:s9], $0x190  }
0x6b: {  	s15 =	sadd.s32 $0x1, s15;
	[sflag:s9] =	ssyncset.done $0x0  }
0x6c: {  	p0 =	sne.s32 s15, s6;
	[sflag:s9] =	ssyncadd.s32 $0xFFFFFE70  }
.Ltmp1:
0x6d: {  	[bflag:$0x0] =	sbarrier.arrive $0xFFFF;
	(pc) =	sbr.rel @p0 .LBB2_1-.Ltmp1, $4  }
0x6e: {  	[hbm:s5], [sflag:s13] =	dma.local [spmem:s14], $0x50  }
0x6f: {  	_ =	swait.ge [sflag:s9], $0x50  }
0x70: {  	[sflag:s9] =	ssyncset.done $0x0  }
0x71: {  	[sflag:s9] =	ssyncadd.s32 $0xFFFFFFB0  }
0x72: {  	_ =	sfence.sel $0x180000  }
0x73: {  	[bflag:$0x0] =	sbarrier.arrive $0xFFFF  }
0x74: {  	p0 =	sne.s32 s0, $0x0;
	_ =	strace $0x90000047  }
0x75: {  	s0 =	sadd.s32 @!p0 $0x100000, s1;
	[bflag:$0x2] =	sbarrier.arrive $0xFFFF  }
0x76: {  	[sflag:s0] =	ssyncadd.tile.s32 @!p0 $0x1;
	_ =	shalt  }
.Lfunc_end2:
_tile_overlayer_lowered:
.L_overlay_start_2:
0x77: {  	(tag) =	ssettag $0x2  }
0x78: {  	s0 =	rddreg [dreg:$0x0];
	s2 =	stileid.u32  }
0x79: {  	s1 =	rddreg [dreg:$0x1];
	p0 =	sne.s32 s2, $0x0  }
0x7a: {  	s3 =	rddreg [dreg:$0x2];
	[bflag:$0x3] =	sbarrier.arrive $0xFFFF;
	s2 =	simm.s32 @!p0 $0x1C01  }
0x7b: {  	[timem:s3], [sflag:s2] =	dma.local @!p0 [hbm:s0], s1  }
0x7c: {  	s0 =	simm.s32 @!p0 $0x1  }
0x7d: {  	_ =	swait.ge @!p0 [sflag:s0], s1  }
0x7e: {  	s1 =	ssub.s32 @!p0 $0x0, s1;
	[sflag:s0] =	ssyncset.done @!p0 $0x0  }
0x7f: {  	[sflag:s0] =	ssyncadd.s32 @!p0 s1  }
0x80: {  	[bflag:$0x3] =	sbarrier.arrive $0xFFFF  }
0x81: {  	_ =	shalt  }

// kernel: kernel.13.cloned.1.call-start
scs
__scs_entry_jumppad:
0x0: {  	(pc) =	sbr.rel $0x88, $3  }
0x1: {  	(tag) =	ssettag $0x0;
	lr =	simm.s32 $0x1  }
0x2: {  	[smem:$0x3F95] =	sst lr;
	_ =	strace $0xD0000000  }
0x3: {  	_ = 	snop  }
0x4: {  	_ = 	snop  }
0x5: {  	_ = 	snop  }
0x6: {  	_ = 	snop  }
0x7: {  	_ = 	snop  }
__scs_overlays_trampoline_lowered:
0x8: {  	[smem:$0x3FA4] =	sst s0  }
0x9: {  	[smem:$0x3FA5] =	sst s1  }
0xa: {  	[smem:$0x3FA6] =	sst s2  }
0xb: {  	[smem:$0x3FA7] =	sst s3  }
0xc: {  	[smem:$0x3FA8] =	sst s4  }
0xd: {  	[smem:$0x3FA9] =	sst s5  }
0xe: {  	[smem:$0x3FAA] =	sst s6  }
0xf: {  	[smem:$0x3FAB] =	sst s7  }
0x10: {  	[smem:$0x3FAC] =	sst s8  }
0x11: {  	[smem:$0x3FAD] =	sst s9;
	s0 =	simm.s32 @!p0 $0x0  }
0x12: {  	s1 =	sld [smem:$0x3F93];
	s0 =	simm.s32 @p0 $0x1  }
0x13: {  	[smem:$0x3FAE] =	sst s0;
	s0 =	simm.s32 @!p1 $0x0  }
0x14: {  	s2 =	sld [smem:$0x3F92];
	s0 =	simm.s32 @p1 $0x1  }
0x15: {  	[smem:$0x3FAF] =	sst s0;
	s0 =	simm.s32 @!p2 $0x0  }
0x16: {  	s3 =	sld [smem:$0x3FDB];
	s0 =	simm.s32 @p2 $0x1  }
0x17: {  	s4 =	simm.s32 $0x1BF5;
	[smem:$0x3FB1] =	sst s0  }
0x18: {  	s0 =	sld [smem:$0x3F94];
	_ =	swait.ge [sflag:s4], $0x0  }
0x19: {  	s7 =	sld [smem:$0x3F95]  }
0x1a: {  	s8 =	sadd.s32 $0xFFFFE003, lr  }
0x1b: {  	s9 =	sadd.s32 $0xFFFFFEF7, lr;
	s5 =	simm.s32 $0xFFFFFFFF;
	p2 =	slt.u32 s8, $0xFFFFF086  }
0x1c: {  	p1 =	slt.u32 s9, $0xF7A;
	s5 =	simm.s32 @!p2 $0x0  }
0x1d: {  	s5 =	simm.s32 @p1 $0x1;
	p0 =	seq.s32 s7, s2  }
0x1e: {  	s7 =	smul.u32 @!p0 $0xF7A, s2;
	p2 =	seq.s32 @!p0 s5, $0x0  }
0x1f: {  	s9 =	smul.u32 $0xF7A, s1;
	s8 =	simm.s32 @!p0 $0x1BF5;
	p2 =	por !p2, p0  }
0x20: {  	[sflag:s8] =	ssyncset.s32 @!p0 $0xFFFFF086;
	s6 =	sadd.s32 @!p0 s3, s7;
	s7 =	simm.s32 @!p0 $0x108  }
0x21: {  	s3 =	sadd.s32 s3, s9;
	s6 =	sadd.s32 @!p0 $0x88, s6;
	s7 =	simm.s32 @p2 $0x1082  }
0x22: {  	[simem:s7], [sflag:s8] =	dma.local @!p0 [hbm:s6], $0xF7A  }
0x23: {  	s9 =	sor.u32 $0xD0000000, s2;
	s6 =	simm.s32 $0x108;
	_ =	swait.ge @!p0 [sflag:s8], $0x0  }
0x24: {  	s3 =	sadd.s32 $0x88, s3;
	s6 =	simm.s32 @!p1 $0x1082;
	[sflag:s4] =	ssyncset.s32 $0xFFFFF086  }
0x25: {  	[simem:s6], [sflag:s4] =	dma.local [hbm:s3], $0xF7A  }
0x26: {  	[smem:$0x3F95] =	sst s1;
	(tag) =	ssettag s2;
	_ =	strace s9  }
0x27: {  	s1 =	sld [smem:$0x3FA5]  }
0x28: {  	s2 =	sld [smem:$0x3FA6]  }
0x29: {  	s4 =	sld [smem:$0x3FA8]  }
0x2a: {  	p0 =	seq.s32 s5, $0x0;
	s5 =	sld [smem:$0x3FA9]  }
0x2b: {  	s6 =	sld [smem:$0x3FAA]  }
0x2c: {  	s7 =	sld [smem:$0x3FAB]  }
0x2d: {  	s3 =	simm.s32 $0x108;
	s8 =	sld [smem:$0x3FAC]  }
0x2e: {  	s3 =	simm.s32 @!p0 $0x1082;
	s9 =	sld [smem:$0x3FAD]  }
0x2f: {  	lr =	sadd.s32 s0, s3;
	s0 =	sld [smem:$0x3FA4]  }
0x30: {  	s3 =	sld [smem:$0x3FA7]  }
0x31: {  	[smem:$0x3FB0] =	sst s10  }
0x32: {  	s10 =	sld [smem:$0x3FAE];
	_ =	sdelay $0x3  }
0x33: {  	p0 =	seq.s32 s10, $0x1;
	s10 =	sld [smem:$0x3FB0];
	_ =	sdelay $0x3  }
0x34: {  	[smem:$0x3FB0] =	sst s10  }
0x35: {  	s10 =	sld [smem:$0x3FAF];
	_ =	sdelay $0x3  }
0x36: {  	p1 =	seq.s32 s10, $0x1;
	s10 =	sld [smem:$0x3FB0];
	_ =	sdelay $0x3  }
0x37: {  	[smem:$0x3FB0] =	sst s10  }
0x38: {  	s10 =	sld [smem:$0x3FB1]  }
0x39: {  	_ = 	snop;
	(pc) =	sbr.ind lr, $3  }
0x3a: {  	_ = 	snop  }
0x3b: {  	_ = 	snop  }
0x3c: {  	p2 =	seq.s32 s10, $0x1;
	s10 =	sld [smem:$0x3FB0]  }
0x3d: {  	_ =	shalt  }
0x3e: {  	_ =	shalt  }
0x3f: {  	_ =	shalt  }
0x40: {  	_ =	shalt  }
0x41: {  	_ =	shalt  }
0x42: {  	_ =	shalt  }
0x43: {  	_ =	shalt  }
0x44: {  	_ =	shalt  }
0x45: {  	_ =	shalt  }
0x46: {  	_ =	shalt  }
0x47: {  	_ =	shalt  }
0x48: {  	_ =	shalt  }
0x49: {  	_ =	shalt  }
0x4a: {  	_ =	shalt  }
0x4b: {  	_ =	shalt  }
0x4c: {  	_ =	shalt  }
0x4d: {  	_ =	shalt  }
0x4e: {  	_ =	shalt  }
0x4f: {  	_ =	shalt  }
0x50: {  	_ =	shalt  }
0x51: {  	_ =	shalt  }
0x52: {  	_ =	shalt  }
0x53: {  	_ =	shalt  }
0x54: {  	_ =	shalt  }
0x55: {  	_ =	shalt  }
0x56: {  	_ =	shalt  }
0x57: {  	_ =	shalt  }
0x58: {  	_ =	shalt  }
0x59: {  	_ =	shalt  }
0x5a: {  	_ =	shalt  }
0x5b: {  	_ =	shalt  }
0x5c: {  	_ =	shalt  }
0x5d: {  	_ =	shalt  }
0x5e: {  	_ =	shalt  }
0x5f: {  	_ =	shalt  }
0x60: {  	_ =	shalt  }
0x61: {  	_ =	shalt  }
0x62: {  	_ =	shalt  }
0x63: {  	_ =	shalt  }
0x64: {  	_ =	shalt  }
0x65: {  	_ =	shalt  }
0x66: {  	_ =	shalt  }
0x67: {  	_ =	shalt  }
0x68: {  	_ =	shalt  }
0x69: {  	_ =	shalt  }
0x6a: {  	_ =	shalt  }
0x6b: {  	_ =	shalt  }
0x6c: {  	_ =	shalt  }
0x6d: {  	_ =	shalt  }
0x6e: {  	_ =	shalt  }
0x6f: {  	_ =	shalt  }
0x70: {  	_ =	shalt  }
0x71: {  	_ =	shalt  }
0x72: {  	_ =	shalt  }
0x73: {  	_ =	shalt  }
0x74: {  	_ =	shalt  }
0x75: {  	_ =	shalt  }
0x76: {  	_ =	shalt  }
0x77: {  	_ =	shalt  }
0x78: {  	_ =	shalt  }
0x79: {  	_ =	shalt  }
0x7a: {  	_ =	shalt  }
0x7b: {  	_ =	shalt  }
0x7c: {  	_ =	shalt  }
0x7d: {  	_ =	shalt  }
0x7e: {  	_ =	shalt  }
0x7f: {  	_ =	shalt  }
0x80: {  	_ =	shalt  }
0x81: {  	_ =	shalt  }
0x82: {  	_ =	shalt  }
0x83: {  	_ =	shalt  }
0x84: {  	_ =	shalt  }
0x85: {  	_ =	shalt  }
0x86: {  	_ =	shalt  }
0x87: {  	_ =	shalt  }
.Lfunc_end0:
.L_simem_size_0:
called_computation.1_lowered:
.L_overlay_start_0:
0x88: {  	s2 =	sld [smem:$0x3FD9]  }
0x89: {  	s3 =	sld [smem:$0x3FFE];
	_ =	sdelay $0x1  }
0x8a: {  	s1 =	srdreg.scid  }
0x8b: {  	s0 =	sand.u32 $0x1, s1  }
0x8c: {  	s17 =	sshll.u32 s0, $0xA;
	s2 =	sadd.s32 s3, s2  }
0x8d: {  	s2 =	sadd.s32 s2, s17  }
0x8e: {  	[smem:$0x3FBC] =	sst s2  }
0x8f: {  	_ = 	snop  }
0x90: {  	(tm) =	ssettm $0x1  }
0x91: {  	s18 =	sld [smem:$0x3FFB];
	_ =	sdelay $0x3  }
0x92: {  	_ =	strace s18  }
0x93: {  	s2 =	sld [smem:$0x3FFC];
	_ =	sdelay $0x3  }
0x94: {  	_ =	strace s2  }
0x95: {  	s2 =	sld [smem:$0x3FFD];
	_ =	sdelay $0x3  }
0x96: {  	_ =	strace s2  }
0x97: {  	_ =	strace $0x8FFFFFFF  }
0x98: {  	s19 =	sld [smem:$0x3FDB];
	_ =	sdelay $0x1  }
0x99: {  	s20 =	simm.s32 $_scs_section_size  }
0x9a: {  	s4 =	simm.s32 $_size__tile_overlayer_lowered;
	s5 =	simm.s32 $_tile_overlayer_lowered  }
0x9b: {  	s6 =	simm.s32 $0x1BFF;
	s21 =	sshll.u32 s5, $0x1;
	s3 =	sadd.s32 s20, s19  }
0x9c: {  	s22 =	simm.s32 $0x0;
	s4 =	sshll.u32 s4, $0x1;
	s5 =	sadd.s32 s21, s3  }
0x9d: {  	[timem:s22], [sflag:s6] =	dma.local [hbm:s5], s4  }
0x9e: {  	_ =	swait.ge [sflag:s6], s4  }
0x9f: {  	s4 =	ssub.s32 $0x0, s4;
	[sflag:s6] =	ssyncset.done $0x0  }
0xa0: {  	[sflag:s6] =	ssyncadd.s32 s4;
	_ =	sdelay $0x1  }
0xa1: {  	s23 =	simm.s32 $0x1B8B  }
0xa2: {  	_ =	swait.ge [sflag:s23], $0x1  }
0xa3: {  	[sflag:s23] =	ssyncset.done $0x0  }
0xa4: {  	[sflag:s23] =	ssyncadd.s32 $0xFFFFFFFF  }
0xa5: {  	s4 =	sld [smem:$0x0]  }
0xa6: {  	s5 =	sand.u32 $0xFFFFFFFE, s1  }
0xa7: {  	p0 =	sne.s32 s1, s5  }
0xa8: {  	s5 =	sshll.u32 @p0 s5, $0xE  }
0xa9: {  	s5 =	sadd.s32 @p0 $0x11B8D, s5;
	s6 =	sshll.u32 @p0 s4, $0x11  }
0xaa: {  	s5 =	sor.u32 @p0 s6, s5  }
0xab: {  	[sflag:s5] =	ssyncadd.remote.s32 @p0 $0x1;
	_ =	sdelay $0x1  }
0xac: {  	s5 =	simm.s32 @p0 $0x1B8D  }
0xad: {  	_ =	swait.eq @p0 [sflag:s5], $0x1  }
0xae: {  	[sflag:s5] =	ssyncadd.s32 @p0 $0xFFFFFFFF  }
0xaf: {  	s6 =	sshll.u32 @!p0 s1, $0xE  }
0xb0: {  	s6 =	sor.u32 @!p0 $0x4000, s6;
	s5 =	simm.s32 @!p0 $0x1B8D  }
0xb1: {  	s4 =	sshll.u32 @!p0 s4, $0x11;
	s6 =	sadd.s32 @!p0 $0x11B8D, s6;
	_ =	swait.eq @!p0 [sflag:s5], $0x1  }
0xb2: {  	s4 =	sor.u32 @!p0 s4, s6;
	[sflag:s5] =	ssyncadd.s32 @!p0 $0xFFFFFFFF  }
0xb3: {  	s25 =	simm.s32 $0x1B8E;
	s24 =	sld [smem:$0x3FFE];
	[sflag:s4] =	ssyncadd.remote.s32 @!p0 $0x1  }
0xb4: {  	s26 =	simm.s32 $execute0_lowered;
	[smem:$0x3FD2] =	sst s25  }
0xb5: {  	s5 =	sshll.u32 s26, $0x1;
	_ =	strace $0x8000004C;
	[dreg:$0x1] =	wrdreg $0xFFFFFFFF  }
0xb6: {  	s28 =	simm.s32 $_size_execute0_lowered;
	s3 =	sadd.s32 s3, s5;
	[dreg:$0x0] =	wrdreg $0x0  }
0xb7: {  	s5 =	sshll.u32 s28, $0x1;
	[dreg:$0x2] =	wrdreg s3  }
0xb8: {  	[dreg:$0x3] =	wrdreg s5  }
0xb9: {  	[dreg:$0x4] =	wrdreg $0xC0  }
0xba: {  	_ =	task [dreg:s22], $0x5FFFF  }
0xbb: {  	[dreg:$0x1] =	wrdreg $0xFFFFFFFF  }
0xbc: {  	[dreg:$0x0] =	wrdreg $0x60  }
0xbd: {  	[dreg:$0x2] =	wrdreg s24  }
0xbe: {  	[dreg:$0x3] =	wrdreg $0x0  }
0xbf: {  	[dreg:$0x4] =	wrdreg $0x9  }
0xc0: {  	_ =	task.clear_ibuf [dreg:s22], $0x5FFFF;
	_ =	strace $0x9000004C  }
0xc1: {  	s29 =	simm.s32 $0x9;
	_ =	strace $0x8000004E  }
0xc2: {  	_ =	swait.ge [sflag:s29], $0x1  }
0xc3: {  	[sflag:s29] =	ssyncadd.s32 $0xFFFFFFFF  }
0xc4: {  	_ =	strace $0x9000004E  }
0xc5: {  	_ =	sfence  }
0xc6: {  	s30 =	sld [smem:$0x0];
	_ =	sdelay $0x2  }
0xc7: {  	s31 =	sshll.u32 s1, $0xD;
	s1 =	sshrl.u32 s1, $0x2  }
0xc8: {  	s4 =	sand.u32 $0x4000, s31;
	s1 =	sadd.s32 s1, s30  }
0xc9: {  	s0 =	sor.u32 s4, s0;
	s1 =	sshll.u32 s1, $0x11  }
0xca: {  	s0 =	sor.u32 s1, s0  }
0xcb: {  	s0 =	sadd.s32 $0x8F2B, s0  }
0xcc: {  	[sflag:s0] =	ssyncadd.remote.s32 $0x1  }
0xcd: {  	_ =	sfence.sel $0xFFFF  }
0xce: {  	[dreg:$0x0] =	wrdreg $0xFFFFFFFF;
	(pc) =	sbr.abs _section_cstart, $3  }
0xcf: {  	[dreg:$0x1] =	wrdreg $0xFFFFFFFF  }
0xd0: {  	_ =	task.clear_ibuf [dreg:s22], $0x2FFFF;
	_ =	strace $0x9FFFFFFF  }
0xd1: {  	(tm) =	ssettm $0x7FFFFFFF  }
tec
execute0_lowered:
.L_overlay_start_1:
0x0: {  	(tag) =	ssettag $0x1  }
0x1: {  	s5 =	rddreg [dreg:$0x0]  }
0x2: {  	s1 =	rddreg [dreg:$0x1]  }
0x3: {  	s0 =	rddreg [dreg:$0x2];
	s3 =	simm.s32 $0x0  }
0x4: {  	s4 =	srdreg.scid;
	s2 =	stileid.u32;
	s15 =	simm.s32 $0xEA60  }
0x5: {  	s16 =	simm.s32 $0xEB28;
	s17 =	simm.s32 $0xEBF0;
	s18 =	simm.s32 $0xECB8  }
0x6: {  	s19 =	simm.s32 $0x1;
	s20 =	simm.s32 $0xC8;
	s21 =	simm.s32 $0xED80  }
0x7: {  	s22 =	simm.s32 $0x13880;
	s23 =	simm.s32 $0x2;
	s24 =	simm.s32 $0x0  }
0x8: {  	[smem:$0x7FF] =	sst s3;
	s6 =	sand.u32 $0x1, s4;
	s7 =	smul.u32 $0x1D4C, s2  }
0x9: {  	s12 =	sadd.s32 $0xD000, s5;
	s11 =	sadd.s32 $0x3200, s5;
	s10 =	smul.u32 $0xEA60, s2  }
0xa: {  	s4 =	sadd.s32 $0x96000, s5;
	s28 =	smul.u32 $0x2710, s2;
	s30 =	sshll.u32 s2, $0x6  }
0xb: {  	_ =	strace $0x8000004D;
	s8 =	smul.u32 $0x1D4C0, s6;
	s9 =	ssub.s32 $0x2, s6  }
0xc: {  	s13 =	smul.u32 $0x27100, s6;
	s6 =	sor.u32 $0x1C03, s30;
	s26 =	sshrl.u32 s9, $0x1  }
0xd: {  	s14 =	sadd.s32 s10, s1;
	s29 =	sshrl.u32 s10, $0x3;
	s7 =	sadd.s32 s7, s8  }
0xe: {  	s8 =	ssub.s32 s9, s26;
	s9 =	sadd.s32 s28, s13;
	s7 =	sadd.s32 s7, s5  }
0xf: {  	s5 =	sadd.s32 s4, s29;
	s31 =	sshrl.u32 s9, $0x3;
	s13 =	sadd.s32 $0xC8, s9  }
0x10: {  	s8 =	smax.u32 s8, $0x1;
	s7 =	sadd.s32 $0xB3600, s7;
	s13 =	sshrl.u32 s13, $0x3  }
0x11: {  	s9 =	sadd.s32 s31, s11;
	s10 =	sadd.s32 s31, s12;
	s11 =	sadd.s32 s13, s11  }
0x12: {  	s12 =	sadd.s32 s13, s12;
	s13 =	sshrl.u32 s14, $0x3;
	s14 =	simm.s32 $0x3  }
.LBB2_1:
0x13: {  	[spmem:s13], [sflag:s6] =	dma.local [hbm:s5], $0x1D4C  }
0x14: {  	_ =	swait.ge [sflag:s14], $0x1D4C  }
0x15: {  	[sflag:s14] =	ssyncset.done $0x0  }
0x16: {  	[sflag:s14] =	ssyncadd.s32 $0xFFFFE2B4  }
0x17: {  	s25 =	sadd.s32 $0x0, s10;
	[bflag:$0x0] =	sbarrier.arrive $0xFFFF  }
0x18: {  	[tilespmem:s15], [sflag:$0x1] =	stream.linear.gather [hbm4b:s25+s3], $0xC8, $0x38;
	[tilespmem:$0x18380] =	vst v63  }
0x19: {  	s29 =	sadd.s32 $0x0, s9  }
0x1a: {  	[tilespmem:s16], [sflag:$0x1] =	stream.linear.gather [hbm4b:s29+s3], $0xC8, $0x38;
	[tilespmem:$0x18380] =	vst v63  }
0x1b: {  	s30 =	sadd.s32 $0x0, s12  }
0x1c: {  	[tilespmem:s17], [sflag:$0x1] =	stream.linear.gather [hbm4b:s30+s3], $0xC8, $0x38;
	[tilespmem:$0x18380] =	vst v63  }
0x1d: {  	s31 =	sadd.s32 $0x0, s11  }
0x1e: {  	[tilespmem:s18], [sflag:$0x1] =	stream.linear.gather [hbm4b:s31+s3], $0xC8, $0x38;
	[tilespmem:$0x18380] =	vst v63  }
0x1f: {  	_ =	swait.ge [sflag:s19], $0xC8  }
0x20: {  	[sflag:s19] =	ssyncset.done $0x0  }
0x21: {  	[sflag:s19] =	ssyncadd.s32 $0xFFFFFF38  }
0x22: {  	_ =	swait.ge [sflag:s19], $0xC8  }
0x23: {  	[sflag:s19] =	ssyncset.done $0x0  }
0x24: {  	[sflag:s19] =	ssyncadd.s32 $0xFFFFFF38  }
0x25: {  	_ =	swait.ge [sflag:s19], $0xC8  }
0x26: {  	[sflag:s19] =	ssyncset.done $0x0  }
0x27: {  	[sflag:s19] =	ssyncadd.s32 $0xFFFFFF38  }
0x28: {  	_ =	swait.ge [sflag:s19], $0xC8  }
0x29: {  	[sflag:s19] =	ssyncset.done $0x0  }
0x2a: {  	[sflag:s19] =	ssyncadd.s32 $0xFFFFFF38  }
0x2b: {  	[tilespmem:s21], [sflag:$0x2] =	stream.indirect.gather [hbm4b:s4+s20], $0x60, s15, s20, $0xb8;
	[tilespmem:$0x18380] =	vst v63  }
0x2c: {  	_ = 	snop  }
0x2d: {  	[tilespmem:s22], [sflag:$0x2] =	stream.indirect.gather [hbm4b:s4+s20], $0x60, s17, s20, $0xb8;
	[tilespmem:$0x18380] =	vst v63  }
0x2e: {  	_ =	swait.ge [sflag:s23], $0x4B00  }
0x2f: {  	[sflag:s23] =	ssyncset.done $0x0  }
0x30: {  	[sflag:s23] =	ssyncadd.s32 $0xFFFFB500  }
0x31: {  	[spmem:s1] =	stream.indirect.scatter.add.f32 [tilespmem:s21], [sflag:$0x3], $0x60, s16, s20, $0xb8;
	[tilespmem:$0x18380] =	vst v63  }
0x32: {  	_ =	swait.ge [sflag:s14], $0x4B00  }
0x33: {  	[sflag:s14] =	ssyncset.done $0x0  }
0x34: {  	[sflag:s14] =	ssyncadd.s32 $0xFFFFB500  }
0x35: {  	_ =	swait.ge [sflag:s23], $0x4B00  }
0x36: {  	[sflag:s23] =	ssyncset.done $0x0  }
0x37: {  	[sflag:s23] =	ssyncadd.s32 $0xFFFFB500  }
0x38: {  	[spmem:s1] =	stream.indirect.scatter.add.f32 [tilespmem:s22], [sflag:$0x3], $0x60, s18, s20, $0xb8;
	[tilespmem:$0x18380] =	vst v63  }
0x39: {  	_ =	swait.ge [sflag:s14], $0x4B00  }
0x3a: {  	s28 =	simm.s32 $0x64;
	s25 =	simm.s32 $0x32;
	[sflag:s14] =	ssyncset.done $0x0  }
.LBB2_2:
0x3b: {  	s29 =	sadd.s32 s25, s10  }
0x3c: {  	[sflag:s14] =	ssyncadd.s32 $0xFFFFB500;
	s30 =	smov.u32 s28;
	s26 =	sadd.s32 $0x32, s28  }
0x3d: {  	[tilespmem:s15], [sflag:$0x1] =	stream.linear.gather [hbm4b:s29+s3], $0xC8, $0x38;
	[tilespmem:$0x18380] =	vst v63  }
0x3e: {  	p0 =	sne.s32 s28, $0x4B0;
	s28 =	sadd.s32 s25, s9  }
0x3f: {  	[tilespmem:s16], [sflag:$0x1] =	stream.linear.gather [hbm4b:s28+s3], $0xC8, $0x38;
	[tilespmem:$0x18380] =	vst v63  }
0x40: {  	s28 =	sadd.s32 s25, s12  }
0x41: {  	[tilespmem:s17], [sflag:$0x1] =	stream.linear.gather [hbm4b:s28+s3], $0xC8, $0x38;
	[tilespmem:$0x18380] =	vst v63  }
0x42: {  	s28 =	sadd.s32 s25, s11;
	s25 =	smov.u32 s30  }
0x43: {  	[tilespmem:s18], [sflag:$0x1] =	stream.linear.gather [hbm4b:s28+s3], $0xC8, $0x38;
	[tilespmem:$0x18380] =	vst v63  }
0x44: {  	_ =	swait.ge [sflag:s19], $0xC8  }
0x45: {  	[sflag:s19] =	ssyncset.done $0x0  }
0x46: {  	[sflag:s19] =	ssyncadd.s32 $0xFFFFFF38  }
0x47: {  	_ =	swait.ge [sflag:s19], $0xC8  }
0x48: {  	[sflag:s19] =	ssyncset.done $0x0  }
0x49: {  	[sflag:s19] =	ssyncadd.s32 $0xFFFFFF38  }
0x4a: {  	_ =	swait.ge [sflag:s19], $0xC8  }
0x4b: {  	[sflag:s19] =	ssyncset.done $0x0  }
0x4c: {  	[sflag:s19] =	ssyncadd.s32 $0xFFFFFF38  }
0x4d: {  	_ =	swait.ge [sflag:s19], $0xC8  }
0x4e: {  	[sflag:s19] =	ssyncset.done $0x0  }
0x4f: {  	[sflag:s19] =	ssyncadd.s32 $0xFFFFFF38  }
0x50: {  	[tilespmem:s21], [sflag:$0x2] =	stream.indirect.gather [hbm4b:s4+s20], $0x60, s15, s20, $0xb8;
	[tilespmem:$0x18380] =	vst v63  }
0x51: {  	_ = 	snop  }
0x52: {  	[tilespmem:s22], [sflag:$0x2] =	stream.indirect.gather [hbm4b:s4+s20], $0x60, s17, s20, $0xb8;
	[tilespmem:$0x18380] =	vst v63  }
0x53: {  	_ =	swait.ge [sflag:s23], $0x4B00  }
0x54: {  	[sflag:s23] =	ssyncset.done $0x0  }
0x55: {  	[sflag:s23] =	ssyncadd.s32 $0xFFFFB500  }
0x56: {  	[spmem:s1] =	stream.indirect.scatter.add.f32 [tilespmem:s21], [sflag:$0x3], $0x60, s16, s20, $0xb8;
	[tilespmem:$0x18380] =	vst v63  }
0x57: {  	_ =	swait.ge [sflag:s14], $0x4B00  }
0x58: {  	[sflag:s14] =	ssyncset.done $0x0  }
0x59: {  	[sflag:s14] =	ssyncadd.s32 $0xFFFFB500  }
0x5a: {  	_ =	swait.ge [sflag:s23], $0x4B00  }
.Ltmp0:
0x5b: {  	[sflag:s23] =	ssyncset.done $0x0;
	(pc) =	sbr.rel @p0 .LBB2_2-.Ltmp0, $4  }
0x5c: {  	[sflag:s23] =	ssyncadd.s32 $0xFFFFB500  }
0x5d: {  	[spmem:s1] =	stream.indirect.scatter.add.f32 [tilespmem:s22], [sflag:$0x3], $0x60, s18, s20, $0xb8;
	[tilespmem:$0x18380] =	vst v63  }
0x5e: {  	_ =	swait.ge [sflag:s14], $0x4B00  }
0x5f: {  	s28 =	smov.u32 s26;
	[sflag:s14] =	ssyncset.done $0x0  }
0x60: {  	s26 =	sadd.s32 s25, s10;
	[sflag:s14] =	ssyncadd.s32 $0xFFFFB500  }
0x61: {  	[tilespmem:s15], [sflag:$0x1] =	stream.linear.gather [hbm4b:s26+s3], $0xC8, $0x38;
	[tilespmem:$0x18380] =	vst v63  }
0x62: {  	s29 =	sadd.s32 s25, s9  }
0x63: {  	[tilespmem:s16], [sflag:$0x1] =	stream.linear.gather [hbm4b:s29+s3], $0xC8, $0x38;
	[tilespmem:$0x18380] =	vst v63  }
0x64: {  	s30 =	sadd.s32 s25, s12  }
0x65: {  	[tilespmem:s17], [sflag:$0x1] =	stream.linear.gather [hbm4b:s30+s3], $0xC8, $0x38;
	[tilespmem:$0x18380] =	vst v63  }
0x66: {  	s31 =	sadd.s32 s25, s11  }
0x67: {  	[tilespmem:s18], [sflag:$0x1] =	stream.linear.gather [hbm4b:s31+s3], $0xC8, $0x38;
	[tilespmem:$0x18380] =	vst v63  }
0x68: {  	_ =	swait.ge [sflag:s19], $0xC8  }
0x69: {  	[sflag:s19] =	ssyncset.done $0x0  }
0x6a: {  	[sflag:s19] =	ssyncadd.s32 $0xFFFFFF38  }
0x6b: {  	_ =	swait.ge [sflag:s19], $0xC8  }
0x6c: {  	[sflag:s19] =	ssyncset.done $0x0  }
0x6d: {  	[sflag:s19] =	ssyncadd.s32 $0xFFFFFF38  }
0x6e: {  	_ =	swait.ge [sflag:s19], $0xC8  }
0x6f: {  	[sflag:s19] =	ssyncset.done $0x0  }
0x70: {  	[sflag:s19] =	ssyncadd.s32 $0xFFFFFF38  }
0x71: {  	_ =	swait.ge [sflag:s19], $0xC8  }
0x72: {  	[sflag:s19] =	ssyncset.done $0x0  }
0x73: {  	[sflag:s19] =	ssyncadd.s32 $0xFFFFFF38  }
0x74: {  	[tilespmem:s21], [sflag:$0x2] =	stream.indirect.gather [hbm4b:s4+s20], $0x60, s15, s20, $0xb8;
	[tilespmem:$0x18380] =	vst v63  }
0x75: {  	_ = 	snop  }
0x76: {  	[tilespmem:s22], [sflag:$0x2] =	stream.indirect.gather [hbm4b:s4+s20], $0x60, s17, s20, $0xb8;
	[tilespmem:$0x18380] =	vst v63  }
0x77: {  	_ =	swait.ge [sflag:s23], $0x4B00  }
0x78: {  	[sflag:s23] =	ssyncset.done $0x0  }
0x79: {  	[sflag:s23] =	ssyncadd.s32 $0xFFFFB500  }
0x7a: {  	[spmem:s1] =	stream.indirect.scatter.add.f32 [tilespmem:s21], [sflag:$0x3], $0x60, s16, s20, $0xb8;
	[tilespmem:$0x18380] =	vst v63  }
0x7b: {  	_ =	swait.ge [sflag:s14], $0x4B00  }
0x7c: {  	[sflag:s14] =	ssyncset.done $0x0  }
0x7d: {  	[sflag:s14] =	ssyncadd.s32 $0xFFFFB500  }
0x7e: {  	_ =	swait.ge [sflag:s23], $0x4B00  }
0x7f: {  	[sflag:s23] =	ssyncset.done $0x0  }
0x80: {  	[sflag:s23] =	ssyncadd.s32 $0xFFFFB500  }
0x81: {  	[spmem:s1] =	stream.indirect.scatter.add.f32 [tilespmem:s22], [sflag:$0x3], $0x60, s18, s20, $0xb8;
	[tilespmem:$0x18380] =	vst v63  }
0x82: {  	_ =	swait.ge [sflag:s14], $0x4B00  }
0x83: {  	s24 =	sadd.s32 $0x1, s24;
	[sflag:s14] =	ssyncset.done $0x0  }
0x84: {  	p0 =	sne.s32 s24, s8;
	[sflag:s14] =	ssyncadd.s32 $0xFFFFB500  }
.Ltmp1:
0x85: {  	[bflag:$0x0] =	sbarrier.arrive $0xFFFF;
	(pc) =	sbr.rel @p0 .LBB2_1-.Ltmp1, $4  }
0x86: {  	[hbm:s7], [sflag:s6] =	dma.local [spmem:s13], $0x1D4C  }
0x87: {  	_ =	swait.ge [sflag:s14], $0x1D4C  }
0x88: {  	[sflag:s14] =	ssyncset.done $0x0  }
0x89: {  	[sflag:s14] =	ssyncadd.s32 $0xFFFFE2B4  }
0x8a: {  	_ =	sfence.sel $0x180000  }
0x8b: {  	[bflag:$0x0] =	sbarrier.arrive $0xFFFF  }
0x8c: {  	p0 =	sne.s32 s2, $0x0;
	_ =	strace $0x9000004D  }
0x8d: {  	s0 =	sadd.s32 @!p0 $0x100000, s0;
	[bflag:$0x2] =	sbarrier.arrive $0xFFFF  }
0x8e: {  	[sflag:s0] =	ssyncadd.tile.s32 @!p0 $0x1;
	_ =	shalt  }
.Lfunc_end2:
_tile_overlayer_lowered:
.L_overlay_start_2:
0x8f: {  	(tag) =	ssettag $0x2  }
0x90: {  	s0 =	rddreg [dreg:$0x0];
	s2 =	stileid.u32  }
0x91: {  	s1 =	rddreg [dreg:$0x1];
	p0 =	sne.s32 s2, $0x0  }
0x92: {  	s3 =	rddreg [dreg:$0x2];
	[bflag:$0x3] =	sbarrier.arrive $0xFFFF;
	s2 =	simm.s32 @!p0 $0x1C03  }
0x93: {  	[timem:s3], [sflag:s2] =	dma.local @!p0 [hbm:s0], s1  }
0x94: {  	s0 =	simm.s32 @!p0 $0x3  }
0x95: {  	_ =	swait.ge @!p0 [sflag:s0], s1  }
0x96: {  	s1 =	ssub.s32 @!p0 $0x0, s1;
	[sflag:s0] =	ssyncset.done @!p0 $0x0  }
0x97: {  	[sflag:s0] =	ssyncadd.s32 @!p0 s1  }
0x98: {  	[bflag:$0x3] =	sbarrier.arrive $0xFFFF  }
0x99: {  	_ =	shalt  }

// kernel: kernel.16.cloned.1.call-start
scs
__scs_entry_jumppad:
0x0: {  	(pc) =	sbr.rel $0x88, $3  }
0x1: {  	(tag) =	ssettag $0x0;
	lr =	simm.s32 $0x1  }
0x2: {  	[smem:$0x3F95] =	sst lr;
	_ =	strace $0xD0000000  }
0x3: {  	_ = 	snop  }
0x4: {  	_ = 	snop  }
0x5: {  	_ = 	snop  }
0x6: {  	_ = 	snop  }
0x7: {  	_ = 	snop  }
__scs_overlays_trampoline_lowered:
0x8: {  	[smem:$0x3FA4] =	sst s0  }
0x9: {  	[smem:$0x3FA5] =	sst s1  }
0xa: {  	[smem:$0x3FA6] =	sst s2  }
0xb: {  	[smem:$0x3FA7] =	sst s3  }
0xc: {  	[smem:$0x3FA8] =	sst s4  }
0xd: {  	[smem:$0x3FA9] =	sst s5  }
0xe: {  	[smem:$0x3FAA] =	sst s6  }
0xf: {  	[smem:$0x3FAB] =	sst s7  }
0x10: {  	[smem:$0x3FAC] =	sst s8  }
0x11: {  	[smem:$0x3FAD] =	sst s9;
	s0 =	simm.s32 @!p0 $0x0  }
0x12: {  	s1 =	sld [smem:$0x3F93];
	s0 =	simm.s32 @p0 $0x1  }
0x13: {  	[smem:$0x3FAE] =	sst s0;
	s0 =	simm.s32 @!p1 $0x0  }
0x14: {  	s2 =	sld [smem:$0x3F92];
	s0 =	simm.s32 @p1 $0x1  }
0x15: {  	[smem:$0x3FAF] =	sst s0;
	s0 =	simm.s32 @!p2 $0x0  }
0x16: {  	s3 =	sld [smem:$0x3FDB];
	s0 =	simm.s32 @p2 $0x1  }
0x17: {  	s4 =	simm.s32 $0x1BF5;
	[smem:$0x3FB1] =	sst s0  }
0x18: {  	s0 =	sld [smem:$0x3F94];
	_ =	swait.ge [sflag:s4], $0x0  }
0x19: {  	s7 =	sld [smem:$0x3F95]  }
0x1a: {  	s8 =	sadd.s32 $0xFFFFE003, lr  }
0x1b: {  	s9 =	sadd.s32 $0xFFFFFEF7, lr;
	s5 =	simm.s32 $0xFFFFFFFF;
	p2 =	slt.u32 s8, $0xFFFFF086  }
0x1c: {  	p1 =	slt.u32 s9, $0xF7A;
	s5 =	simm.s32 @!p2 $0x0  }
0x1d: {  	s5 =	simm.s32 @p1 $0x1;
	p0 =	seq.s32 s7, s2  }
0x1e: {  	s7 =	smul.u32 @!p0 $0xF7A, s2;
	p2 =	seq.s32 @!p0 s5, $0x0  }
0x1f: {  	s9 =	smul.u32 $0xF7A, s1;
	s8 =	simm.s32 @!p0 $0x1BF5;
	p2 =	por !p2, p0  }
0x20: {  	[sflag:s8] =	ssyncset.s32 @!p0 $0xFFFFF086;
	s6 =	sadd.s32 @!p0 s3, s7;
	s7 =	simm.s32 @!p0 $0x108  }
0x21: {  	s3 =	sadd.s32 s3, s9;
	s6 =	sadd.s32 @!p0 $0x88, s6;
	s7 =	simm.s32 @p2 $0x1082  }
0x22: {  	[simem:s7], [sflag:s8] =	dma.local @!p0 [hbm:s6], $0xF7A  }
0x23: {  	s9 =	sor.u32 $0xD0000000, s2;
	s6 =	simm.s32 $0x108;
	_ =	swait.ge @!p0 [sflag:s8], $0x0  }
0x24: {  	s3 =	sadd.s32 $0x88, s3;
	s6 =	simm.s32 @!p1 $0x1082;
	[sflag:s4] =	ssyncset.s32 $0xFFFFF086  }
0x25: {  	[simem:s6], [sflag:s4] =	dma.local [hbm:s3], $0xF7A  }
0x26: {  	[smem:$0x3F95] =	sst s1;
	(tag) =	ssettag s2;
	_ =	strace s9  }
0x27: {  	s1 =	sld [smem:$0x3FA5]  }
0x28: {  	s2 =	sld [smem:$0x3FA6]  }
0x29: {  	s4 =	sld [smem:$0x3FA8]  }
0x2a: {  	p0 =	seq.s32 s5, $0x0;
	s5 =	sld [smem:$0x3FA9]  }
0x2b: {  	s6 =	sld [smem:$0x3FAA]  }
0x2c: {  	s7 =	sld [smem:$0x3FAB]  }
0x2d: {  	s3 =	simm.s32 $0x108;
	s8 =	sld [smem:$0x3FAC]  }
0x2e: {  	s3 =	simm.s32 @!p0 $0x1082;
	s9 =	sld [smem:$0x3FAD]  }
0x2f: {  	lr =	sadd.s32 s0, s3;
	s0 =	sld [smem:$0x3FA4]  }
0x30: {  	s3 =	sld [smem:$0x3FA7]  }
0x31: {  	[smem:$0x3FB0] =	sst s10  }
0x32: {  	s10 =	sld [smem:$0x3FAE];
	_ =	sdelay $0x3  }
0x33: {  	p0 =	seq.s32 s10, $0x1;
	s10 =	sld [smem:$0x3FB0];
	_ =	sdelay $0x3  }
0x34: {  	[smem:$0x3FB0] =	sst s10  }
0x35: {  	s10 =	sld [smem:$0x3FAF];
	_ =	sdelay $0x3  }
0x36: {  	p1 =	seq.s32 s10, $0x1;
	s10 =	sld [smem:$0x3FB0];
	_ =	sdelay $0x3  }
0x37: {  	[smem:$0x3FB0] =	sst s10  }
0x38: {  	s10 =	sld [smem:$0x3FB1]  }
0x39: {  	_ = 	snop;
	(pc) =	sbr.ind lr, $3  }
0x3a: {  	_ = 	snop  }
0x3b: {  	_ = 	snop  }
0x3c: {  	p2 =	seq.s32 s10, $0x1;
	s10 =	sld [smem:$0x3FB0]  }
0x3d: {  	_ =	shalt  }
0x3e: {  	_ =	shalt  }
0x3f: {  	_ =	shalt  }
0x40: {  	_ =	shalt  }
0x41: {  	_ =	shalt  }
0x42: {  	_ =	shalt  }
0x43: {  	_ =	shalt  }
0x44: {  	_ =	shalt  }
0x45: {  	_ =	shalt  }
0x46: {  	_ =	shalt  }
0x47: {  	_ =	shalt  }
0x48: {  	_ =	shalt  }
0x49: {  	_ =	shalt  }
0x4a: {  	_ =	shalt  }
0x4b: {  	_ =	shalt  }
0x4c: {  	_ =	shalt  }
0x4d: {  	_ =	shalt  }
0x4e: {  	_ =	shalt  }
0x4f: {  	_ =	shalt  }
0x50: {  	_ =	shalt  }
0x51: {  	_ =	shalt  }
0x52: {  	_ =	shalt  }
0x53: {  	_ =	shalt  }
0x54: {  	_ =	shalt  }
0x55: {  	_ =	shalt  }
0x56: {  	_ =	shalt  }
0x57: {  	_ =	shalt  }
0x58: {  	_ =	shalt  }
0x59: {  	_ =	shalt  }
0x5a: {  	_ =	shalt  }
0x5b: {  	_ =	shalt  }
0x5c: {  	_ =	shalt  }
0x5d: {  	_ =	shalt  }
0x5e: {  	_ =	shalt  }
0x5f: {  	_ =	shalt  }
0x60: {  	_ =	shalt  }
0x61: {  	_ =	shalt  }
0x62: {  	_ =	shalt  }
0x63: {  	_ =	shalt  }
0x64: {  	_ =	shalt  }
0x65: {  	_ =	shalt  }
0x66: {  	_ =	shalt  }
0x67: {  	_ =	shalt  }
0x68: {  	_ =	shalt  }
0x69: {  	_ =	shalt  }
0x6a: {  	_ =	shalt  }
0x6b: {  	_ =	shalt  }
0x6c: {  	_ =	shalt  }
0x6d: {  	_ =	shalt  }
0x6e: {  	_ =	shalt  }
0x6f: {  	_ =	shalt  }
0x70: {  	_ =	shalt  }
0x71: {  	_ =	shalt  }
0x72: {  	_ =	shalt  }
0x73: {  	_ =	shalt  }
0x74: {  	_ =	shalt  }
0x75: {  	_ =	shalt  }
0x76: {  	_ =	shalt  }
0x77: {  	_ =	shalt  }
0x78: {  	_ =	shalt  }
0x79: {  	_ =	shalt  }
0x7a: {  	_ =	shalt  }
0x7b: {  	_ =	shalt  }
0x7c: {  	_ =	shalt  }
0x7d: {  	_ =	shalt  }
0x7e: {  	_ =	shalt  }
0x7f: {  	_ =	shalt  }
0x80: {  	_ =	shalt  }
0x81: {  	_ =	shalt  }
0x82: {  	_ =	shalt  }
0x83: {  	_ =	shalt  }
0x84: {  	_ =	shalt  }
0x85: {  	_ =	shalt  }
0x86: {  	_ =	shalt  }
0x87: {  	_ =	shalt  }
.Lfunc_end0:
.L_simem_size_0:
called_computation.2_lowered:
.L_overlay_start_0:
0x88: {  	s2 =	sld [smem:$0x3FD9]  }
0x89: {  	s3 =	sld [smem:$0x3FFE];
	_ =	sdelay $0x1  }
0x8a: {  	s1 =	srdreg.scid  }
0x8b: {  	s0 =	sand.u32 $0x1, s1  }
0x8c: {  	s16 =	sshll.u32 s0, $0xA;
	s2 =	sadd.s32 s3, s2  }
0x8d: {  	s2 =	sadd.s32 s2, s16  }
0x8e: {  	[smem:$0x3FBC] =	sst s2  }
0x8f: {  	_ = 	snop  }
0x90: {  	(tm) =	ssettm $0x1  }
0x91: {  	s17 =	sld [smem:$0x3FFB];
	_ =	sdelay $0x3  }
0x92: {  	_ =	strace s17  }
0x93: {  	s2 =	sld [smem:$0x3FFC];
	_ =	sdelay $0x3  }
0x94: {  	_ =	strace s2  }
0x95: {  	s2 =	sld [smem:$0x3FFD];
	_ =	sdelay $0x3  }
0x96: {  	_ =	strace s2  }
0x97: {  	_ =	strace $0x8FFFFFFF  }
0x98: {  	s18 =	sld [smem:$0x3FDB];
	_ =	sdelay $0x1  }
0x99: {  	s19 =	simm.s32 $_scs_section_size  }
0x9a: {  	s4 =	simm.s32 $_size__tile_overlayer_lowered;
	s5 =	simm.s32 $_tile_overlayer_lowered  }
0x9b: {  	s22 =	simm.s32 $0x1BFF;
	s21 =	sshll.u32 s5, $0x1;
	s2 =	sadd.s32 s19, s18  }
0x9c: {  	s6 =	simm.s32 $0x0;
	s20 =	sshll.u32 s4, $0x1;
	s4 =	sadd.s32 s21, s2  }
0x9d: {  	[timem:s6], [sflag:s22] =	dma.local [hbm:s4], s20  }
0x9e: {  	_ =	swait.ge [sflag:s22], s20  }
0x9f: {  	s3 =	ssub.s32 $0x0, s20;
	[sflag:s22] =	ssyncset.done $0x0  }
0xa0: {  	[sflag:s22] =	ssyncadd.s32 s3;
	_ =	sdelay $0x1  }
0xa1: {  	s23 =	simm.s32 $0x1B8B  }
0xa2: {  	_ =	swait.ge [sflag:s23], $0x1  }
0xa3: {  	[sflag:s23] =	ssyncset.done $0x0  }
0xa4: {  	s25 =	simm.s32 $0x1B8E;
	s24 =	sld [smem:$0x3FFE];
	[sflag:s23] =	ssyncadd.s32 $0xFFFFFFFF  }
0xa5: {  	s26 =	simm.s32 $execute0_lowered;
	[smem:$0x3FD2] =	sst s25  }
0xa6: {  	s4 =	sshll.u32 s26, $0x1;
	_ =	strace $0x80000049;
	[dreg:$0x1] =	wrdreg $0xFFFFFFFF  }
0xa7: {  	s28 =	simm.s32 $_size_execute0_lowered;
	s2 =	sadd.s32 s2, s4;
	[dreg:$0x0] =	wrdreg $0x0  }
0xa8: {  	s4 =	sshll.u32 s28, $0x1;
	[dreg:$0x2] =	wrdreg s2  }
0xa9: {  	[dreg:$0x3] =	wrdreg s4  }
0xaa: {  	[dreg:$0x4] =	wrdreg $0xC0  }
0xab: {  	_ =	task [dreg:s6], $0x5FFFF  }
0xac: {  	[dreg:$0x1] =	wrdreg $0xFFFFFFFF  }
0xad: {  	[dreg:$0x0] =	wrdreg $0x60  }
0xae: {  	[dreg:$0x2] =	wrdreg s24  }
0xaf: {  	[dreg:$0x3] =	wrdreg $0x0  }
0xb0: {  	[dreg:$0x4] =	wrdreg $0xA  }
0xb1: {  	_ =	task.clear_ibuf [dreg:s6], $0x5FFFF;
	_ =	strace $0x90000049  }
0xb2: {  	s29 =	simm.s32 $0xA;
	_ =	strace $0x8000004B  }
0xb3: {  	_ =	swait.ge [sflag:s29], $0x1  }
0xb4: {  	[sflag:s29] =	ssyncadd.s32 $0xFFFFFFFF  }
0xb5: {  	_ =	strace $0x9000004B  }
0xb6: {  	_ =	sfence  }
0xb7: {  	s30 =	sld [smem:$0x0];
	_ =	sdelay $0x2  }
0xb8: {  	s31 =	sshll.u32 s1, $0xD;
	s1 =	sshrl.u32 s1, $0x2  }
0xb9: {  	s3 =	sand.u32 $0x4000, s31;
	s1 =	sadd.s32 s1, s30  }
0xba: {  	s0 =	sor.u32 s3, s0;
	s1 =	sshll.u32 s1, $0x11  }
0xbb: {  	s0 =	sor.u32 s1, s0  }
0xbc: {  	s0 =	sadd.s32 $0x8F2B, s0  }
0xbd: {  	[sflag:s0] =	ssyncadd.remote.s32 $0x1  }
0xbe: {  	_ =	sfence.sel $0xFFFF  }
0xbf: {  	[dreg:$0x0] =	wrdreg $0xFFFFFFFF;
	(pc) =	sbr.abs _section_cstart, $3  }
0xc0: {  	[dreg:$0x1] =	wrdreg $0xFFFFFFFF  }
0xc1: {  	_ =	task.clear_ibuf [dreg:s6], $0x2FFFF;
	_ =	strace $0x9FFFFFFF  }
0xc2: {  	(tm) =	ssettm $0x7FFFFFFF  }
0xc3: {  	_ =	shalt  }
tec
execute0_lowered:
.L_overlay_start_1:
0x0: {  	(tag) =	ssettag $0x1  }
0x1: {  	s5 =	rddreg [dreg:$0x0]  }
0x2: {  	s1 =	rddreg [dreg:$0x1]  }
0x3: {  	s0 =	rddreg [dreg:$0x2];
	s3 =	simm.s32 $0x0  }
0x4: {  	s4 =	srdreg.scid;
	s2 =	stileid.u32;
	s15 =	simm.s32 $0xEA60  }
0x5: {  	s16 =	simm.s32 $0xEB28;
	s17 =	simm.s32 $0xEBF0;
	s18 =	simm.s32 $0xECB8  }
0x6: {  	s19 =	simm.s32 $0x1;
	s20 =	simm.s32 $0xC8;
	s21 =	simm.s32 $0xED80  }
0x7: {  	s22 =	simm.s32 $0x13880;
	s23 =	simm.s32 $0x2;
	s24 =	simm.s32 $0x0  }
0x8: {  	[smem:$0x7FF] =	sst s3;
	s6 =	sand.u32 $0x1, s4;
	s7 =	smul.u32 $0x1D4C, s2  }
0x9: {  	s12 =	sadd.s32 $0xD000, s5;
	s11 =	sadd.s32 $0x3200, s5;
	s10 =	smul.u32 $0xEA60, s2  }
0xa: {  	s4 =	sadd.s32 $0x3E000, s5;
	s28 =	smul.u32 $0x2710, s2;
	s30 =	sshll.u32 s2, $0x6  }
0xb: {  	_ =	strace $0x8000004A;
	s8 =	smul.u32 $0x1D4C0, s6;
	s9 =	ssub.s32 $0x2, s6  }
0xc: {  	s13 =	smul.u32 $0x27100, s6;
	s6 =	sor.u32 $0x1C03, s30;
	s26 =	sshrl.u32 s9, $0x1  }
0xd: {  	s14 =	sadd.s32 s10, s1;
	s29 =	sshrl.u32 s10, $0x3;
	s7 =	sadd.s32 s7, s8  }
0xe: {  	s8 =	ssub.s32 s9, s26;
	s9 =	sadd.s32 s28, s13;
	s7 =	sadd.s32 s7, s5  }
0xf: {  	s5 =	sadd.s32 s4, s29;
	s31 =	sshrl.u32 s9, $0x3;
	s13 =	sadd.s32 $0xC8, s9  }
0x10: {  	s8 =	smax.u32 s8, $0x1;
	s7 =	sadd.s32 $0x5B600, s7;
	s13 =	sshrl.u32 s13, $0x3  }
0x11: {  	s9 =	sadd.s32 s31, s11;
	s10 =	sadd.s32 s31, s12;
	s11 =	sadd.s32 s13, s11  }
0x12: {  	s12 =	sadd.s32 s13, s12;
	s13 =	sshrl.u32 s14, $0x3;
	s14 =	simm.s32 $0x3  }
.LBB2_1:
0x13: {  	[spmem:s13], [sflag:s6] =	dma.local [hbm:s5], $0x1D4C  }
0x14: {  	_ =	swait.ge [sflag:s14], $0x1D4C  }
0x15: {  	[sflag:s14] =	ssyncset.done $0x0  }
0x16: {  	[sflag:s14] =	ssyncadd.s32 $0xFFFFE2B4  }
0x17: {  	s25 =	sadd.s32 $0x0, s10;
	[bflag:$0x0] =	sbarrier.arrive $0xFFFF  }
0x18: {  	[tilespmem:s15], [sflag:$0x1] =	stream.linear.gather [hbm4b:s25+s3], $0xC8, $0x38;
	[tilespmem:$0x18380] =	vst v63  }
0x19: {  	s29 =	sadd.s32 $0x0, s9  }
0x1a: {  	[tilespmem:s16], [sflag:$0x1] =	stream.linear.gather [hbm4b:s29+s3], $0xC8, $0x38;
	[tilespmem:$0x18380] =	vst v63  }
0x1b: {  	s30 =	sadd.s32 $0x0, s12  }
0x1c: {  	[tilespmem:s17], [sflag:$0x1] =	stream.linear.gather [hbm4b:s30+s3], $0xC8, $0x38;
	[tilespmem:$0x18380] =	vst v63  }
0x1d: {  	s31 =	sadd.s32 $0x0, s11  }
0x1e: {  	[tilespmem:s18], [sflag:$0x1] =	stream.linear.gather [hbm4b:s31+s3], $0xC8, $0x38;
	[tilespmem:$0x18380] =	vst v63  }
0x1f: {  	_ =	swait.ge [sflag:s19], $0xC8  }
0x20: {  	[sflag:s19] =	ssyncset.done $0x0  }
0x21: {  	[sflag:s19] =	ssyncadd.s32 $0xFFFFFF38  }
0x22: {  	_ =	swait.ge [sflag:s19], $0xC8  }
0x23: {  	[sflag:s19] =	ssyncset.done $0x0  }
0x24: {  	[sflag:s19] =	ssyncadd.s32 $0xFFFFFF38  }
0x25: {  	_ =	swait.ge [sflag:s19], $0xC8  }
0x26: {  	[sflag:s19] =	ssyncset.done $0x0  }
0x27: {  	[sflag:s19] =	ssyncadd.s32 $0xFFFFFF38  }
0x28: {  	_ =	swait.ge [sflag:s19], $0xC8  }
0x29: {  	[sflag:s19] =	ssyncset.done $0x0  }
0x2a: {  	[sflag:s19] =	ssyncadd.s32 $0xFFFFFF38  }
0x2b: {  	[tilespmem:s21], [sflag:$0x2] =	stream.indirect.gather [hbm4b:s4+s20], $0x60, s15, s20, $0xb8;
	[tilespmem:$0x18380] =	vst v63  }
0x2c: {  	_ = 	snop  }
0x2d: {  	[tilespmem:s22], [sflag:$0x2] =	stream.indirect.gather [hbm4b:s4+s20], $0x60, s17, s20, $0xb8;
	[tilespmem:$0x18380] =	vst v63  }
0x2e: {  	_ =	swait.ge [sflag:s23], $0x4B00  }
0x2f: {  	[sflag:s23] =	ssyncset.done $0x0  }
0x30: {  	[sflag:s23] =	ssyncadd.s32 $0xFFFFB500  }
0x31: {  	[spmem:s1] =	stream.indirect.scatter.add.f32 [tilespmem:s21], [sflag:$0x3], $0x60, s16, s20, $0xb8;
	[tilespmem:$0x18380] =	vst v63  }
0x32: {  	_ =	swait.ge [sflag:s14], $0x4B00  }
0x33: {  	[sflag:s14] =	ssyncset.done $0x0  }
0x34: {  	[sflag:s14] =	ssyncadd.s32 $0xFFFFB500  }
0x35: {  	_ =	swait.ge [sflag:s23], $0x4B00  }
0x36: {  	[sflag:s23] =	ssyncset.done $0x0  }
0x37: {  	[sflag:s23] =	ssyncadd.s32 $0xFFFFB500  }
0x38: {  	[spmem:s1] =	stream.indirect.scatter.add.f32 [tilespmem:s22], [sflag:$0x3], $0x60, s18, s20, $0xb8;
	[tilespmem:$0x18380] =	vst v63  }
0x39: {  	_ =	swait.ge [sflag:s14], $0x4B00  }
0x3a: {  	s28 =	simm.s32 $0x64;
	s25 =	simm.s32 $0x32;
	[sflag:s14] =	ssyncset.done $0x0  }
.LBB2_2:
0x3b: {  	s29 =	sadd.s32 s25, s10  }
0x3c: {  	[sflag:s14] =	ssyncadd.s32 $0xFFFFB500;
	s30 =	smov.u32 s28;
	s26 =	sadd.s32 $0x32, s28  }
0x3d: {  	[tilespmem:s15], [sflag:$0x1] =	stream.linear.gather [hbm4b:s29+s3], $0xC8, $0x38;
	[tilespmem:$0x18380] =	vst v63  }
0x3e: {  	p0 =	sne.s32 s28, $0x4B0;
	s28 =	sadd.s32 s25, s9  }
0x3f: {  	[tilespmem:s16], [sflag:$0x1] =	stream.linear.gather [hbm4b:s28+s3], $0xC8, $0x38;
	[tilespmem:$0x18380] =	vst v63  }
0x40: {  	s28 =	sadd.s32 s25, s12  }
0x41: {  	[tilespmem:s17], [sflag:$0x1] =	stream.linear.gather [hbm4b:s28+s3], $0xC8, $0x38;
	[tilespmem:$0x18380] =	vst v63  }
0x42: {  	s28 =	sadd.s32 s25, s11;
	s25 =	smov.u32 s30  }
0x43: {  	[tilespmem:s18], [sflag:$0x1] =	stream.linear.gather [hbm4b:s28+s3], $0xC8, $0x38;
	[tilespmem:$0x18380] =	vst v63  }
0x44: {  	_ =	swait.ge [sflag:s19], $0xC8  }
0x45: {  	[sflag:s19] =	ssyncset.done $0x0  }
0x46: {  	[sflag:s19] =	ssyncadd.s32 $0xFFFFFF38  }
0x47: {  	_ =	swait.ge [sflag:s19], $0xC8  }
0x48: {  	[sflag:s19] =	ssyncset.done $0x0  }
0x49: {  	[sflag:s19] =	ssyncadd.s32 $0xFFFFFF38  }
0x4a: {  	_ =	swait.ge [sflag:s19], $0xC8  }
0x4b: {  	[sflag:s19] =	ssyncset.done $0x0  }
0x4c: {  	[sflag:s19] =	ssyncadd.s32 $0xFFFFFF38  }
0x4d: {  	_ =	swait.ge [sflag:s19], $0xC8  }
0x4e: {  	[sflag:s19] =	ssyncset.done $0x0  }
0x4f: {  	[sflag:s19] =	ssyncadd.s32 $0xFFFFFF38  }
0x50: {  	[tilespmem:s21], [sflag:$0x2] =	stream.indirect.gather [hbm4b:s4+s20], $0x60, s15, s20, $0xb8;
	[tilespmem:$0x18380] =	vst v63  }
0x51: {  	_ = 	snop  }
0x52: {  	[tilespmem:s22], [sflag:$0x2] =	stream.indirect.gather [hbm4b:s4+s20], $0x60, s17, s20, $0xb8;
	[tilespmem:$0x18380] =	vst v63  }
0x53: {  	_ =	swait.ge [sflag:s23], $0x4B00  }
0x54: {  	[sflag:s23] =	ssyncset.done $0x0  }
0x55: {  	[sflag:s23] =	ssyncadd.s32 $0xFFFFB500  }
0x56: {  	[spmem:s1] =	stream.indirect.scatter.add.f32 [tilespmem:s21], [sflag:$0x3], $0x60, s16, s20, $0xb8;
	[tilespmem:$0x18380] =	vst v63  }
0x57: {  	_ =	swait.ge [sflag:s14], $0x4B00  }
0x58: {  	[sflag:s14] =	ssyncset.done $0x0  }
0x59: {  	[sflag:s14] =	ssyncadd.s32 $0xFFFFB500  }
0x5a: {  	_ =	swait.ge [sflag:s23], $0x4B00  }
.Ltmp0:
0x5b: {  	[sflag:s23] =	ssyncset.done $0x0;
	(pc) =	sbr.rel @p0 .LBB2_2-.Ltmp0, $4  }
0x5c: {  	[sflag:s23] =	ssyncadd.s32 $0xFFFFB500  }
0x5d: {  	[spmem:s1] =	stream.indirect.scatter.add.f32 [tilespmem:s22], [sflag:$0x3], $0x60, s18, s20, $0xb8;
	[tilespmem:$0x18380] =	vst v63  }
0x5e: {  	_ =	swait.ge [sflag:s14], $0x4B00  }
0x5f: {  	s28 =	smov.u32 s26;
	[sflag:s14] =	ssyncset.done $0x0  }
0x60: {  	s26 =	sadd.s32 s25, s10;
	[sflag:s14] =	ssyncadd.s32 $0xFFFFB500  }
0x61: {  	[tilespmem:s15], [sflag:$0x1] =	stream.linear.gather [hbm4b:s26+s3], $0xC8, $0x38;
	[tilespmem:$0x18380] =	vst v63  }
0x62: {  	s29 =	sadd.s32 s25, s9  }
0x63: {  	[tilespmem:s16], [sflag:$0x1] =	stream.linear.gather [hbm4b:s29+s3], $0xC8, $0x38;
	[tilespmem:$0x18380] =	vst v63  }
0x64: {  	s30 =	sadd.s32 s25, s12  }
0x65: {  	[tilespmem:s17], [sflag:$0x1] =	stream.linear.gather [hbm4b:s30+s3], $0xC8, $0x38;
	[tilespmem:$0x18380] =	vst v63  }
0x66: {  	s31 =	sadd.s32 s25, s11  }
0x67: {  	[tilespmem:s18], [sflag:$0x1] =	stream.linear.gather [hbm4b:s31+s3], $0xC8, $0x38;
	[tilespmem:$0x18380] =	vst v63  }
0x68: {  	_ =	swait.ge [sflag:s19], $0xC8  }
0x69: {  	[sflag:s19] =	ssyncset.done $0x0  }
0x6a: {  	[sflag:s19] =	ssyncadd.s32 $0xFFFFFF38  }
0x6b: {  	_ =	swait.ge [sflag:s19], $0xC8  }
0x6c: {  	[sflag:s19] =	ssyncset.done $0x0  }
0x6d: {  	[sflag:s19] =	ssyncadd.s32 $0xFFFFFF38  }
0x6e: {  	_ =	swait.ge [sflag:s19], $0xC8  }
0x6f: {  	[sflag:s19] =	ssyncset.done $0x0  }
0x70: {  	[sflag:s19] =	ssyncadd.s32 $0xFFFFFF38  }
0x71: {  	_ =	swait.ge [sflag:s19], $0xC8  }
0x72: {  	[sflag:s19] =	ssyncset.done $0x0  }
0x73: {  	[sflag:s19] =	ssyncadd.s32 $0xFFFFFF38  }
0x74: {  	[tilespmem:s21], [sflag:$0x2] =	stream.indirect.gather [hbm4b:s4+s20], $0x60, s15, s20, $0xb8;
	[tilespmem:$0x18380] =	vst v63  }
0x75: {  	_ = 	snop  }
0x76: {  	[tilespmem:s22], [sflag:$0x2] =	stream.indirect.gather [hbm4b:s4+s20], $0x60, s17, s20, $0xb8;
	[tilespmem:$0x18380] =	vst v63  }
0x77: {  	_ =	swait.ge [sflag:s23], $0x4B00  }
0x78: {  	[sflag:s23] =	ssyncset.done $0x0  }
0x79: {  	[sflag:s23] =	ssyncadd.s32 $0xFFFFB500  }
0x7a: {  	[spmem:s1] =	stream.indirect.scatter.add.f32 [tilespmem:s21], [sflag:$0x3], $0x60, s16, s20, $0xb8;
	[tilespmem:$0x18380] =	vst v63  }
0x7b: {  	_ =	swait.ge [sflag:s14], $0x4B00  }
0x7c: {  	[sflag:s14] =	ssyncset.done $0x0  }
0x7d: {  	[sflag:s14] =	ssyncadd.s32 $0xFFFFB500  }
0x7e: {  	_ =	swait.ge [sflag:s23], $0x4B00  }
0x7f: {  	[sflag:s23] =	ssyncset.done $0x0  }
0x80: {  	[sflag:s23] =	ssyncadd.s32 $0xFFFFB500  }
0x81: {  	[spmem:s1] =	stream.indirect.scatter.add.f32 [tilespmem:s22], [sflag:$0x3], $0x60, s18, s20, $0xb8;
	[tilespmem:$0x18380] =	vst v63  }
0x82: {  	_ =	swait.ge [sflag:s14], $0x4B00  }
0x83: {  	s24 =	sadd.s32 $0x1, s24;
	[sflag:s14] =	ssyncset.done $0x0  }
0x84: {  	p0 =	sne.s32 s24, s8;
	[sflag:s14] =	ssyncadd.s32 $0xFFFFB500  }
.Ltmp1:
0x85: {  	[bflag:$0x0] =	sbarrier.arrive $0xFFFF;
	(pc) =	sbr.rel @p0 .LBB2_1-.Ltmp1, $4  }
0x86: {  	[hbm:s7], [sflag:s6] =	dma.local [spmem:s13], $0x1D4C  }
0x87: {  	_ =	swait.ge [sflag:s14], $0x1D4C  }
0x88: {  	[sflag:s14] =	ssyncset.done $0x0  }
0x89: {  	[sflag:s14] =	ssyncadd.s32 $0xFFFFE2B4  }
0x8a: {  	_ =	sfence.sel $0x180000  }
0x8b: {  	[bflag:$0x0] =	sbarrier.arrive $0xFFFF  }
0x8c: {  	p0 =	sne.s32 s2, $0x0;
	_ =	strace $0x9000004A  }
0x8d: {  	s0 =	sadd.s32 @!p0 $0x100000, s0;
	[bflag:$0x2] =	sbarrier.arrive $0xFFFF  }
0x8e: {  	[sflag:s0] =	ssyncadd.tile.s32 @!p0 $0x1;
	_ =	shalt  }
.Lfunc_end2:
_tile_overlayer_lowered:
.L_overlay_start_2:
0x8f: {  	(tag) =	ssettag $0x2  }
0x90: {  	s0 =	rddreg [dreg:$0x0];
	s2 =	stileid.u32  }
0x91: {  	s1 =	rddreg [dreg:$0x1];
	p0 =	sne.s32 s2, $0x0  }
0x92: {  	s3 =	rddreg [dreg:$0x2];
	[bflag:$0x3] =	sbarrier.arrive $0xFFFF;
	s2 =	simm.s32 @!p0 $0x1C03  }
0x93: {  	[timem:s3], [sflag:s2] =	dma.local @!p0 [hbm:s0], s1  }
0x94: {  	s0 =	simm.s32 @!p0 $0x3  }
0x95: {  	_ =	swait.ge @!p0 [sflag:s0], s1  }
0x96: {  	s1 =	ssub.s32 @!p0 $0x0, s1;
	[sflag:s0] =	ssyncset.done @!p0 $0x0  }
0x97: {  	[sflag:s0] =	ssyncadd.s32 @!p0 s1  }
0x98: {  	[bflag:$0x3] =	sbarrier.arrive $0xFFFF  }
0x99: {  	_ =	shalt  }

// kernel: kernel.19.cloned.1.call-start
scs
__scs_entry_jumppad:
0x0: {  	(pc) =	sbr.rel $0x88, $3  }
0x1: {  	(tag) =	ssettag $0x0;
	lr =	simm.s32 $0x1  }
0x2: {  	[smem:$0x3F95] =	sst lr;
	_ =	strace $0xD0000000  }
0x3: {  	_ = 	snop  }
0x4: {  	_ = 	snop  }
0x5: {  	_ = 	snop  }
0x6: {  	_ = 	snop  }
0x7: {  	_ = 	snop  }
__scs_overlays_trampoline_lowered:
0x8: {  	[smem:$0x3FA4] =	sst s0  }
0x9: {  	[smem:$0x3FA5] =	sst s1  }
0xa: {  	[smem:$0x3FA6] =	sst s2  }
0xb: {  	[smem:$0x3FA7] =	sst s3  }
0xc: {  	[smem:$0x3FA8] =	sst s4  }
0xd: {  	[smem:$0x3FA9] =	sst s5  }
0xe: {  	[smem:$0x3FAA] =	sst s6  }
0xf: {  	[smem:$0x3FAB] =	sst s7  }
0x10: {  	[smem:$0x3FAC] =	sst s8  }
0x11: {  	[smem:$0x3FAD] =	sst s9;
	s0 =	simm.s32 @!p0 $0x0  }
0x12: {  	s1 =	sld [smem:$0x3F93];
	s0 =	simm.s32 @p0 $0x1  }
0x13: {  	[smem:$0x3FAE] =	sst s0;
	s0 =	simm.s32 @!p1 $0x0  }
0x14: {  	s2 =	sld [smem:$0x3F92];
	s0 =	simm.s32 @p1 $0x1  }
0x15: {  	[smem:$0x3FAF] =	sst s0;
	s0 =	simm.s32 @!p2 $0x0  }
0x16: {  	s3 =	sld [smem:$0x3FDB];
	s0 =	simm.s32 @p2 $0x1  }
0x17: {  	s4 =	simm.s32 $0x1BF5;
	[smem:$0x3FB1] =	sst s0  }
0x18: {  	s0 =	sld [smem:$0x3F94];
	_ =	swait.ge [sflag:s4], $0x0  }
0x19: {  	s7 =	sld [smem:$0x3F95]  }
0x1a: {  	s8 =	sadd.s32 $0xFFFFE003, lr  }
0x1b: {  	s9 =	sadd.s32 $0xFFFFFEF7, lr;
	s5 =	simm.s32 $0xFFFFFFFF;
	p2 =	slt.u32 s8, $0xFFFFF086  }
0x1c: {  	p1 =	slt.u32 s9, $0xF7A;
	s5 =	simm.s32 @!p2 $0x0  }
0x1d: {  	s5 =	simm.s32 @p1 $0x1;
	p0 =	seq.s32 s7, s2  }
0x1e: {  	s7 =	smul.u32 @!p0 $0xF7A, s2;
	p2 =	seq.s32 @!p0 s5, $0x0  }
0x1f: {  	s9 =	smul.u32 $0xF7A, s1;
	s8 =	simm.s32 @!p0 $0x1BF5;
	p2 =	por !p2, p0  }
0x20: {  	[sflag:s8] =	ssyncset.s32 @!p0 $0xFFFFF086;
	s6 =	sadd.s32 @!p0 s3, s7;
	s7 =	simm.s32 @!p0 $0x108  }
0x21: {  	s3 =	sadd.s32 s3, s9;
	s6 =	sadd.s32 @!p0 $0x88, s6;
	s7 =	simm.s32 @p2 $0x1082  }
0x22: {  	[simem:s7], [sflag:s8] =	dma.local @!p0 [hbm:s6], $0xF7A  }
0x23: {  	s9 =	sor.u32 $0xD0000000, s2;
	s6 =	simm.s32 $0x108;
	_ =	swait.ge @!p0 [sflag:s8], $0x0  }
0x24: {  	s3 =	sadd.s32 $0x88, s3;
	s6 =	simm.s32 @!p1 $0x1082;
	[sflag:s4] =	ssyncset.s32 $0xFFFFF086  }
0x25: {  	[simem:s6], [sflag:s4] =	dma.local [hbm:s3], $0xF7A  }
0x26: {  	[smem:$0x3F95] =	sst s1;
	(tag) =	ssettag s2;
	_ =	strace s9  }
0x27: {  	s1 =	sld [smem:$0x3FA5]  }
0x28: {  	s2 =	sld [smem:$0x3FA6]  }
0x29: {  	s4 =	sld [smem:$0x3FA8]  }
0x2a: {  	p0 =	seq.s32 s5, $0x0;
	s5 =	sld [smem:$0x3FA9]  }
0x2b: {  	s6 =	sld [smem:$0x3FAA]  }
0x2c: {  	s7 =	sld [smem:$0x3FAB]  }
0x2d: {  	s3 =	simm.s32 $0x108;
	s8 =	sld [smem:$0x3FAC]  }
0x2e: {  	s3 =	simm.s32 @!p0 $0x1082;
	s9 =	sld [smem:$0x3FAD]  }
0x2f: {  	lr =	sadd.s32 s0, s3;
	s0 =	sld [smem:$0x3FA4]  }
0x30: {  	s3 =	sld [smem:$0x3FA7]  }
0x31: {  	[smem:$0x3FB0] =	sst s10  }
0x32: {  	s10 =	sld [smem:$0x3FAE];
	_ =	sdelay $0x3  }
0x33: {  	p0 =	seq.s32 s10, $0x1;
	s10 =	sld [smem:$0x3FB0];
	_ =	sdelay $0x3  }
0x34: {  	[smem:$0x3FB0] =	sst s10  }
0x35: {  	s10 =	sld [smem:$0x3FAF];
	_ =	sdelay $0x3  }
0x36: {  	p1 =	seq.s32 s10, $0x1;
	s10 =	sld [smem:$0x3FB0];
	_ =	sdelay $0x3  }
0x37: {  	[smem:$0x3FB0] =	sst s10  }
0x38: {  	s10 =	sld [smem:$0x3FB1]  }
0x39: {  	_ = 	snop;
	(pc) =	sbr.ind lr, $3  }
0x3a: {  	_ = 	snop  }
0x3b: {  	_ = 	snop  }
0x3c: {  	p2 =	seq.s32 s10, $0x1;
	s10 =	sld [smem:$0x3FB0]  }
0x3d: {  	_ =	shalt  }
0x3e: {  	_ =	shalt  }
0x3f: {  	_ =	shalt  }
0x40: {  	_ =	shalt  }
0x41: {  	_ =	shalt  }
0x42: {  	_ =	shalt  }
0x43: {  	_ =	shalt  }
0x44: {  	_ =	shalt  }
0x45: {  	_ =	shalt  }
0x46: {  	_ =	shalt  }
0x47: {  	_ =	shalt  }
0x48: {  	_ =	shalt  }
0x49: {  	_ =	shalt  }
0x4a: {  	_ =	shalt  }
0x4b: {  	_ =	shalt  }
0x4c: {  	_ =	shalt  }
0x4d: {  	_ =	shalt  }
0x4e: {  	_ =	shalt  }
0x4f: {  	_ =	shalt  }
0x50: {  	_ =	shalt  }
0x51: {  	_ =	shalt  }
0x52: {  	_ =	shalt  }
0x53: {  	_ =	shalt  }
0x54: {  	_ =	shalt  }
0x55: {  	_ =	shalt  }
0x56: {  	_ =	shalt  }
0x57: {  	_ =	shalt  }
0x58: {  	_ =	shalt  }
0x59: {  	_ =	shalt  }
0x5a: {  	_ =	shalt  }
0x5b: {  	_ =	shalt  }
0x5c: {  	_ =	shalt  }
0x5d: {  	_ =	shalt  }
0x5e: {  	_ =	shalt  }
0x5f: {  	_ =	shalt  }
0x60: {  	_ =	shalt  }
0x61: {  	_ =	shalt  }
0x62: {  	_ =	shalt  }
0x63: {  	_ =	shalt  }
0x64: {  	_ =	shalt  }
0x65: {  	_ =	shalt  }
0x66: {  	_ =	shalt  }
0x67: {  	_ =	shalt  }
0x68: {  	_ =	shalt  }
0x69: {  	_ =	shalt  }
0x6a: {  	_ =	shalt  }
0x6b: {  	_ =	shalt  }
0x6c: {  	_ =	shalt  }
0x6d: {  	_ =	shalt  }
0x6e: {  	_ =	shalt  }
0x6f: {  	_ =	shalt  }
0x70: {  	_ =	shalt  }
0x71: {  	_ =	shalt  }
0x72: {  	_ =	shalt  }
0x73: {  	_ =	shalt  }
0x74: {  	_ =	shalt  }
0x75: {  	_ =	shalt  }
0x76: {  	_ =	shalt  }
0x77: {  	_ =	shalt  }
0x78: {  	_ =	shalt  }
0x79: {  	_ =	shalt  }
0x7a: {  	_ =	shalt  }
0x7b: {  	_ =	shalt  }
0x7c: {  	_ =	shalt  }
0x7d: {  	_ =	shalt  }
0x7e: {  	_ =	shalt  }
0x7f: {  	_ =	shalt  }
0x80: {  	_ =	shalt  }
0x81: {  	_ =	shalt  }
0x82: {  	_ =	shalt  }
0x83: {  	_ =	shalt  }
0x84: {  	_ =	shalt  }
0x85: {  	_ =	shalt  }
0x86: {  	_ =	shalt  }
0x87: {  	_ =	shalt  }
.Lfunc_end0:
.L_simem_size_0:
called_computation.3_lowered:
.L_overlay_start_0:
0x88: {  	s2 =	sld [smem:$0x3FD9]  }
0x89: {  	s3 =	sld [smem:$0x3FFE];
	_ =	sdelay $0x1  }
0x8a: {  	s1 =	srdreg.scid  }
0x8b: {  	s0 =	sand.u32 $0x1, s1  }
0x8c: {  	s16 =	sshll.u32 s0, $0xA;
	s2 =	sadd.s32 s3, s2  }
0x8d: {  	s2 =	sadd.s32 s2, s16  }
0x8e: {  	[smem:$0x3FBC] =	sst s2  }
0x8f: {  	_ = 	snop  }
0x90: {  	(tm) =	ssettm $0x1  }
0x91: {  	s17 =	sld [smem:$0x3FFB];
	_ =	sdelay $0x3  }
0x92: {  	_ =	strace s17  }
0x93: {  	s2 =	sld [smem:$0x3FFC];
	_ =	sdelay $0x3  }
0x94: {  	_ =	strace s2  }
0x95: {  	s2 =	sld [smem:$0x3FFD];
	_ =	sdelay $0x3  }
0x96: {  	_ =	strace s2  }
0x97: {  	_ =	strace $0x8FFFFFFF  }
0x98: {  	s18 =	sld [smem:$0x3FDB];
	_ =	sdelay $0x1  }
0x99: {  	s19 =	simm.s32 $_scs_section_size  }
0x9a: {  	s4 =	simm.s32 $_size__tile_overlayer_lowered;
	s5 =	simm.s32 $_tile_overlayer_lowered  }
0x9b: {  	s22 =	simm.s32 $0x1BFF;
	s21 =	sshll.u32 s5, $0x1;
	s2 =	sadd.s32 s19, s18  }
0x9c: {  	s6 =	simm.s32 $0x0;
	s20 =	sshll.u32 s4, $0x1;
	s4 =	sadd.s32 s21, s2  }
0x9d: {  	[timem:s6], [sflag:s22] =	dma.local [hbm:s4], s20  }
0x9e: {  	_ =	swait.ge [sflag:s22], s20  }
0x9f: {  	s3 =	ssub.s32 $0x0, s20;
	[sflag:s22] =	ssyncset.done $0x0  }
0xa0: {  	[sflag:s22] =	ssyncadd.s32 s3;
	_ =	sdelay $0x1  }
0xa1: {  	s23 =	simm.s32 $0x1B8B  }
0xa2: {  	_ =	swait.ge [sflag:s23], $0x1  }
0xa3: {  	[sflag:s23] =	ssyncset.done $0x0  }
0xa4: {  	s25 =	simm.s32 $0x1B8E;
	s24 =	sld [smem:$0x3FFE];
	[sflag:s23] =	ssyncadd.s32 $0xFFFFFFFF  }
0xa5: {  	s26 =	simm.s32 $execute0_lowered;
	[smem:$0x3FD2] =	sst s25  }
0xa6: {  	s4 =	sshll.u32 s26, $0x1;
	_ =	strace $0x8000004F;
	[dreg:$0x1] =	wrdreg $0xFFFFFFFF  }
0xa7: {  	s28 =	simm.s32 $_size_execute0_lowered;
	s2 =	sadd.s32 s2, s4;
	[dreg:$0x0] =	wrdreg $0x0  }
0xa8: {  	s4 =	sshll.u32 s28, $0x1;
	[dreg:$0x2] =	wrdreg s2  }
0xa9: {  	[dreg:$0x3] =	wrdreg s4  }
0xaa: {  	[dreg:$0x4] =	wrdreg $0xC0  }
0xab: {  	_ =	task [dreg:s6], $0x5FFFF  }
0xac: {  	[dreg:$0x1] =	wrdreg $0xFFFFFFFF  }
0xad: {  	[dreg:$0x0] =	wrdreg $0x60  }
0xae: {  	[dreg:$0x2] =	wrdreg s24  }
0xaf: {  	[dreg:$0x3] =	wrdreg $0x0  }
0xb0: {  	[dreg:$0x4] =	wrdreg $0x9  }
0xb1: {  	_ =	task.clear_ibuf [dreg:s6], $0x5FFFF;
	_ =	strace $0x9000004F  }
0xb2: {  	s29 =	simm.s32 $0x9;
	_ =	strace $0x80000051  }
0xb3: {  	_ =	swait.ge [sflag:s29], $0x1  }
0xb4: {  	[sflag:s29] =	ssyncadd.s32 $0xFFFFFFFF  }
0xb5: {  	_ =	strace $0x90000051  }
0xb6: {  	_ =	sfence  }
0xb7: {  	s30 =	sld [smem:$0x0];
	_ =	sdelay $0x2  }
0xb8: {  	s31 =	sshll.u32 s1, $0xD;
	s1 =	sshrl.u32 s1, $0x2  }
0xb9: {  	s3 =	sand.u32 $0x4000, s31;
	s1 =	sadd.s32 s1, s30  }
0xba: {  	s0 =	sor.u32 s3, s0;
	s1 =	sshll.u32 s1, $0x11  }
0xbb: {  	s0 =	sor.u32 s1, s0  }
0xbc: {  	s0 =	sadd.s32 $0x8F2B, s0  }
0xbd: {  	[sflag:s0] =	ssyncadd.remote.s32 $0x1  }
0xbe: {  	_ =	sfence.sel $0xFFFF  }
0xbf: {  	[dreg:$0x0] =	wrdreg $0xFFFFFFFF;
	(pc) =	sbr.abs _section_cstart, $3  }
0xc0: {  	[dreg:$0x1] =	wrdreg $0xFFFFFFFF  }
0xc1: {  	_ =	task.clear_ibuf [dreg:s6], $0x2FFFF;
	_ =	strace $0x9FFFFFFF  }
0xc2: {  	(tm) =	ssettm $0x7FFFFFFF  }
0xc3: {  	_ =	shalt  }
tec
execute0_lowered:
.L_overlay_start_1:
0x0: {  	(tag) =	ssettag $0x1  }
0x1: {  	s5 =	rddreg [dreg:$0x0]  }
0x2: {  	s1 =	rddreg [dreg:$0x1]  }
0x3: {  	s0 =	rddreg [dreg:$0x2];
	s3 =	simm.s32 $0x0  }
0x4: {  	s4 =	srdreg.scid;
	s2 =	stileid.u32;
	s15 =	simm.s32 $0xEA60  }
0x5: {  	s16 =	simm.s32 $0xEB28;
	s17 =	simm.s32 $0xEBF0;
	s18 =	simm.s32 $0xECB8  }
0x6: {  	s19 =	simm.s32 $0x1;
	s20 =	simm.s32 $0xC8;
	s21 =	simm.s32 $0xED80  }
0x7: {  	s22 =	simm.s32 $0x13880;
	s23 =	simm.s32 $0x2;
	s24 =	simm.s32 $0x0  }
0x8: {  	[smem:$0x7FF] =	sst s3;
	s6 =	sand.u32 $0x1, s4;
	s7 =	smul.u32 $0x1D4C, s2  }
0x9: {  	s12 =	sadd.s32 $0xD000, s5;
	s11 =	sadd.s32 $0x3200, s5;
	s10 =	smul.u32 $0xEA60, s2  }
0xa: {  	s4 =	sadd.s32 $0x3E000, s5;
	s28 =	smul.u32 $0x2710, s2;
	s30 =	sshll.u32 s2, $0x6  }
0xb: {  	_ =	strace $0x80000050;
	s8 =	smul.u32 $0x1D4C0, s6;
	s9 =	ssub.s32 $0x2, s6  }
0xc: {  	s13 =	smul.u32 $0x27100, s6;
	s6 =	sor.u32 $0x1C03, s30;
	s26 =	sshrl.u32 s9, $0x1  }
0xd: {  	s14 =	sadd.s32 s10, s1;
	s29 =	sshrl.u32 s10, $0x3;
	s7 =	sadd.s32 s7, s8  }
0xe: {  	s8 =	ssub.s32 s9, s26;
	s9 =	sadd.s32 s28, s13;
	s7 =	sadd.s32 s7, s5  }
0xf: {  	s5 =	sadd.s32 s4, s29;
	s31 =	sshrl.u32 s9, $0x3;
	s13 =	sadd.s32 $0xC8, s9  }
0x10: {  	s8 =	smax.u32 s8, $0x1;
	s7 =	sadd.s32 $0x5B600, s7;
	s13 =	sshrl.u32 s13, $0x3  }
0x11: {  	s9 =	sadd.s32 s31, s11;
	s10 =	sadd.s32 s31, s12;
	s11 =	sadd.s32 s13, s11  }
0x12: {  	s12 =	sadd.s32 s13, s12;
	s13 =	sshrl.u32 s14, $0x3;
	s14 =	simm.s32 $0x3  }
.LBB2_1:
0x13: {  	[spmem:s13], [sflag:s6] =	dma.local [hbm:s5], $0x1D4C  }
0x14: {  	_ =	swait.ge [sflag:s14], $0x1D4C  }
0x15: {  	[sflag:s14] =	ssyncset.done $0x0  }
0x16: {  	[sflag:s14] =	ssyncadd.s32 $0xFFFFE2B4  }
0x17: {  	s25 =	sadd.s32 $0x0, s10;
	[bflag:$0x0] =	sbarrier.arrive $0xFFFF  }
0x18: {  	[tilespmem:s15], [sflag:$0x1] =	stream.linear.gather [hbm4b:s25+s3], $0xC8, $0x38;
	[tilespmem:$0x18380] =	vst v63  }
0x19: {  	s29 =	sadd.s32 $0x0, s9  }
0x1a: {  	[tilespmem:s16], [sflag:$0x1] =	stream.linear.gather [hbm4b:s29+s3], $0xC8, $0x38;
	[tilespmem:$0x18380] =	vst v63  }
0x1b: {  	s30 =	sadd.s32 $0x0, s12  }
0x1c: {  	[tilespmem:s17], [sflag:$0x1] =	stream.linear.gather [hbm4b:s30+s3], $0xC8, $0x38;
	[tilespmem:$0x18380] =	vst v63  }
0x1d: {  	s31 =	sadd.s32 $0x0, s11  }
0x1e: {  	[tilespmem:s18], [sflag:$0x1] =	stream.linear.gather [hbm4b:s31+s3], $0xC8, $0x38;
	[tilespmem:$0x18380] =	vst v63  }
0x1f: {  	_ =	swait.ge [sflag:s19], $0xC8  }
0x20: {  	[sflag:s19] =	ssyncset.done $0x0  }
0x21: {  	[sflag:s19] =	ssyncadd.s32 $0xFFFFFF38  }
0x22: {  	_ =	swait.ge [sflag:s19], $0xC8  }
0x23: {  	[sflag:s19] =	ssyncset.done $0x0  }
0x24: {  	[sflag:s19] =	ssyncadd.s32 $0xFFFFFF38  }
0x25: {  	_ =	swait.ge [sflag:s19], $0xC8  }
0x26: {  	[sflag:s19] =	ssyncset.done $0x0  }
0x27: {  	[sflag:s19] =	ssyncadd.s32 $0xFFFFFF38  }
0x28: {  	_ =	swait.ge [sflag:s19], $0xC8  }
0x29: {  	[sflag:s19] =	ssyncset.done $0x0  }
0x2a: {  	[sflag:s19] =	ssyncadd.s32 $0xFFFFFF38  }
0x2b: {  	[tilespmem:s21], [sflag:$0x2] =	stream.indirect.gather [hbm4b:s4+s20], $0x60, s15, s20, $0xb8;
	[tilespmem:$0x18380] =	vst v63  }
0x2c: {  	_ = 	snop  }
0x2d: {  	[tilespmem:s22], [sflag:$0x2] =	stream.indirect.gather [hbm4b:s4+s20], $0x60, s17, s20, $0xb8;
	[tilespmem:$0x18380] =	vst v63  }
0x2e: {  	_ =	swait.ge [sflag:s23], $0x4B00  }
0x2f: {  	[sflag:s23] =	ssyncset.done $0x0  }
0x30: {  	[sflag:s23] =	ssyncadd.s32 $0xFFFFB500  }
0x31: {  	[spmem:s1] =	stream.indirect.scatter.add.f32 [tilespmem:s21], [sflag:$0x3], $0x60, s16, s20, $0xb8;
	[tilespmem:$0x18380] =	vst v63  }
0x32: {  	_ =	swait.ge [sflag:s14], $0x4B00  }
0x33: {  	[sflag:s14] =	ssyncset.done $0x0  }
0x34: {  	[sflag:s14] =	ssyncadd.s32 $0xFFFFB500  }
0x35: {  	_ =	swait.ge [sflag:s23], $0x4B00  }
0x36: {  	[sflag:s23] =	ssyncset.done $0x0  }
0x37: {  	[sflag:s23] =	ssyncadd.s32 $0xFFFFB500  }
0x38: {  	[spmem:s1] =	stream.indirect.scatter.add.f32 [tilespmem:s22], [sflag:$0x3], $0x60, s18, s20, $0xb8;
	[tilespmem:$0x18380] =	vst v63  }
0x39: {  	_ =	swait.ge [sflag:s14], $0x4B00  }
0x3a: {  	s28 =	simm.s32 $0x64;
	s25 =	simm.s32 $0x32;
	[sflag:s14] =	ssyncset.done $0x0  }
.LBB2_2:
0x3b: {  	s29 =	sadd.s32 s25, s10  }
0x3c: {  	[sflag:s14] =	ssyncadd.s32 $0xFFFFB500;
	s30 =	smov.u32 s28;
	s26 =	sadd.s32 $0x32, s28  }
0x3d: {  	[tilespmem:s15], [sflag:$0x1] =	stream.linear.gather [hbm4b:s29+s3], $0xC8, $0x38;
	[tilespmem:$0x18380] =	vst v63  }
0x3e: {  	p0 =	sne.s32 s28, $0x4B0;
	s28 =	sadd.s32 s25, s9  }
0x3f: {  	[tilespmem:s16], [sflag:$0x1] =	stream.linear.gather [hbm4b:s28+s3], $0xC8, $0x38;
	[tilespmem:$0x18380] =	vst v63  }
0x40: {  	s28 =	sadd.s32 s25, s12  }
0x41: {  	[tilespmem:s17], [sflag:$0x1] =	stream.linear.gather [hbm4b:s28+s3], $0xC8, $0x38;
	[tilespmem:$0x18380] =	vst v63  }
0x42: {  	s28 =	sadd.s32 s25, s11;
	s25 =	smov.u32 s30  }
0x43: {  	[tilespmem:s18], [sflag:$0x1] =	stream.linear.gather [hbm4b:s28+s3], $0xC8, $0x38;
	[tilespmem:$0x18380] =	vst v63  }
0x44: {  	_ =	swait.ge [sflag:s19], $0xC8  }
0x45: {  	[sflag:s19] =	ssyncset.done $0x0  }
0x46: {  	[sflag:s19] =	ssyncadd.s32 $0xFFFFFF38  }
0x47: {  	_ =	swait.ge [sflag:s19], $0xC8  }
0x48: {  	[sflag:s19] =	ssyncset.done $0x0  }
0x49: {  	[sflag:s19] =	ssyncadd.s32 $0xFFFFFF38  }
0x4a: {  	_ =	swait.ge [sflag:s19], $0xC8  }
0x4b: {  	[sflag:s19] =	ssyncset.done $0x0  }
0x4c: {  	[sflag:s19] =	ssyncadd.s32 $0xFFFFFF38  }
0x4d: {  	_ =	swait.ge [sflag:s19], $0xC8  }
0x4e: {  	[sflag:s19] =	ssyncset.done $0x0  }
0x4f: {  	[sflag:s19] =	ssyncadd.s32 $0xFFFFFF38  }
0x50: {  	[tilespmem:s21], [sflag:$0x2] =	stream.indirect.gather [hbm4b:s4+s20], $0x60, s15, s20, $0xb8;
	[tilespmem:$0x18380] =	vst v63  }
0x51: {  	_ = 	snop  }
0x52: {  	[tilespmem:s22], [sflag:$0x2] =	stream.indirect.gather [hbm4b:s4+s20], $0x60, s17, s20, $0xb8;
	[tilespmem:$0x18380] =	vst v63  }
0x53: {  	_ =	swait.ge [sflag:s23], $0x4B00  }
0x54: {  	[sflag:s23] =	ssyncset.done $0x0  }
0x55: {  	[sflag:s23] =	ssyncadd.s32 $0xFFFFB500  }
0x56: {  	[spmem:s1] =	stream.indirect.scatter.add.f32 [tilespmem:s21], [sflag:$0x3], $0x60, s16, s20, $0xb8;
	[tilespmem:$0x18380] =	vst v63  }
0x57: {  	_ =	swait.ge [sflag:s14], $0x4B00  }
0x58: {  	[sflag:s14] =	ssyncset.done $0x0  }
0x59: {  	[sflag:s14] =	ssyncadd.s32 $0xFFFFB500  }
0x5a: {  	_ =	swait.ge [sflag:s23], $0x4B00  }
.Ltmp0:
0x5b: {  	[sflag:s23] =	ssyncset.done $0x0;
	(pc) =	sbr.rel @p0 .LBB2_2-.Ltmp0, $4  }
0x5c: {  	[sflag:s23] =	ssyncadd.s32 $0xFFFFB500  }
0x5d: {  	[spmem:s1] =	stream.indirect.scatter.add.f32 [tilespmem:s22], [sflag:$0x3], $0x60, s18, s20, $0xb8;
	[tilespmem:$0x18380] =	vst v63  }
0x5e: {  	_ =	swait.ge [sflag:s14], $0x4B00  }
0x5f: {  	s28 =	smov.u32 s26;
	[sflag:s14] =	ssyncset.done $0x0  }
0x60: {  	s26 =	sadd.s32 s25, s10;
	[sflag:s14] =	ssyncadd.s32 $0xFFFFB500  }
0x61: {  	[tilespmem:s15], [sflag:$0x1] =	stream.linear.gather [hbm4b:s26+s3], $0xC8, $0x38;
	[tilespmem:$0x18380] =	vst v63  }
0x62: {  	s29 =	sadd.s32 s25, s9  }
0x63: {  	[tilespmem:s16], [sflag:$0x1] =	stream.linear.gather [hbm4b:s29+s3], $0xC8, $0x38;
	[tilespmem:$0x18380] =	vst v63  }
0x64: {  	s30 =	sadd.s32 s25, s12  }
0x65: {  	[tilespmem:s17], [sflag:$0x1] =	stream.linear.gather [hbm4b:s30+s3], $0xC8, $0x38;
	[tilespmem:$0x18380] =	vst v63  }
0x66: {  	s31 =	sadd.s32 s25, s11  }
0x67: {  	[tilespmem:s18], [sflag:$0x1] =	stream.linear.gather [hbm4b:s31+s3], $0xC8, $0x38;
	[tilespmem:$0x18380] =	vst v63  }
0x68: {  	_ =	swait.ge [sflag:s19], $0xC8  }
0x69: {  	[sflag:s19] =	ssyncset.done $0x0  }
0x6a: {  	[sflag:s19] =	ssyncadd.s32 $0xFFFFFF38  }
0x6b: {  	_ =	swait.ge [sflag:s19], $0xC8  }
0x6c: {  	[sflag:s19] =	ssyncset.done $0x0  }
0x6d: {  	[sflag:s19] =	ssyncadd.s32 $0xFFFFFF38  }
0x6e: {  	_ =	swait.ge [sflag:s19], $0xC8  }
0x6f: {  	[sflag:s19] =	ssyncset.done $0x0  }
0x70: {  	[sflag:s19] =	ssyncadd.s32 $0xFFFFFF38  }
0x71: {  	_ =	swait.ge [sflag:s19], $0xC8  }
0x72: {  	[sflag:s19] =	ssyncset.done $0x0  }
0x73: {  	[sflag:s19] =	ssyncadd.s32 $0xFFFFFF38  }
0x74: {  	[tilespmem:s21], [sflag:$0x2] =	stream.indirect.gather [hbm4b:s4+s20], $0x60, s15, s20, $0xb8;
	[tilespmem:$0x18380] =	vst v63  }
0x75: {  	_ = 	snop  }
0x76: {  	[tilespmem:s22], [sflag:$0x2] =	stream.indirect.gather [hbm4b:s4+s20], $0x60, s17, s20, $0xb8;
	[tilespmem:$0x18380] =	vst v63  }
0x77: {  	_ =	swait.ge [sflag:s23], $0x4B00  }
0x78: {  	[sflag:s23] =	ssyncset.done $0x0  }
0x79: {  	[sflag:s23] =	ssyncadd.s32 $0xFFFFB500  }
0x7a: {  	[spmem:s1] =	stream.indirect.scatter.add.f32 [tilespmem:s21], [sflag:$0x3], $0x60, s16, s20, $0xb8;
	[tilespmem:$0x18380] =	vst v63  }
0x7b: {  	_ =	swait.ge [sflag:s14], $0x4B00  }
0x7c: {  	[sflag:s14] =	ssyncset.done $0x0  }
0x7d: {  	[sflag:s14] =	ssyncadd.s32 $0xFFFFB500  }
0x7e: {  	_ =	swait.ge [sflag:s23], $0x4B00  }
0x7f: {  	[sflag:s23] =	ssyncset.done $0x0  }
0x80: {  	[sflag:s23] =	ssyncadd.s32 $0xFFFFB500  }
0x81: {  	[spmem:s1] =	stream.indirect.scatter.add.f32 [tilespmem:s22], [sflag:$0x3], $0x60, s18, s20, $0xb8;
	[tilespmem:$0x18380] =	vst v63  }
0x82: {  	_ =	swait.ge [sflag:s14], $0x4B00  }
0x83: {  	s24 =	sadd.s32 $0x1, s24;
	[sflag:s14] =	ssyncset.done $0x0  }
0x84: {  	p0 =	sne.s32 s24, s8;
	[sflag:s14] =	ssyncadd.s32 $0xFFFFB500  }
.Ltmp1:
0x85: {  	[bflag:$0x0] =	sbarrier.arrive $0xFFFF;
	(pc) =	sbr.rel @p0 .LBB2_1-.Ltmp1, $4  }
0x86: {  	[hbm:s7], [sflag:s6] =	dma.local [spmem:s13], $0x1D4C  }
0x87: {  	_ =	swait.ge [sflag:s14], $0x1D4C  }
0x88: {  	[sflag:s14] =	ssyncset.done $0x0  }
0x89: {  	[sflag:s14] =	ssyncadd.s32 $0xFFFFE2B4  }
0x8a: {  	_ =	sfence.sel $0x180000  }
0x8b: {  	[bflag:$0x0] =	sbarrier.arrive $0xFFFF  }
0x8c: {  	p0 =	sne.s32 s2, $0x0;
	_ =	strace $0x90000050  }
0x8d: {  	s0 =	sadd.s32 @!p0 $0x100000, s0;
	[bflag:$0x2] =	sbarrier.arrive $0xFFFF  }
0x8e: {  	[sflag:s0] =	ssyncadd.tile.s32 @!p0 $0x1;
	_ =	shalt  }
.Lfunc_end2:
_tile_overlayer_lowered:
.L_overlay_start_2:
0x8f: {  	(tag) =	ssettag $0x2  }
0x90: {  	s0 =	rddreg [dreg:$0x0];
	s2 =	stileid.u32  }
0x91: {  	s1 =	rddreg [dreg:$0x1];
	p0 =	sne.s32 s2, $0x0  }
0x92: {  	s3 =	rddreg [dreg:$0x2];
	[bflag:$0x3] =	sbarrier.arrive $0xFFFF;
	s2 =	simm.s32 @!p0 $0x1C03  }
0x93: {  	[timem:s3], [sflag:s2] =	dma.local @!p0 [hbm:s0], s1  }
0x94: {  	s0 =	simm.s32 @!p0 $0x3  }
0x95: {  	_ =	swait.ge @!p0 [sflag:s0], s1  }
0x96: {  	s1 =	ssub.s32 @!p0 $0x0, s1;
	[sflag:s0] =	ssyncset.done @!p0 $0x0  }
0x97: {  	[sflag:s0] =	ssyncadd.s32 @!p0 s1  }
0x98: {  	[bflag:$0x3] =	sbarrier.arrive $0xFFFF  }
0x99: {  	_ =	shalt  }

</sc_bundles>
